<compile_context>
chip_gen: v7x
topology: tpu7x:2x2x1
jax: 0.10.2.dev20260603
libtpu: 0.0.44.dev20260713+nightly
codegen_flags: <defaults>
</compile_context>

<pallas_src>
import functools

import jax
import jax.numpy as jnp
from jax import lax
from jax.experimental import pallas as pl
from jax.experimental.pallas import tpu as pltpu
from jax.experimental.pallas import tpu_sc as plsc

L = 16
CHUNK = 4096
UNROLL = 8


def _sc_call(B, INDIM, OUTDIM, NNZP):
    info = plsc.get_sparse_core_info()
    nw = info.num_cores * info.num_subcores
    assert B % nw == 0
    bpw = B // nw
    n_pairs = NNZP // (2 * CHUNK)
    mesh = plsc.VectorSubcoreMesh(core_axis_name="c", subcore_axis_name="s")

    @functools.partial(
        pl.kernel,
        out_type=jax.ShapeDtypeStruct((B, OUTDIM), jnp.float32),
        mesh=mesh,
        compiler_params=pltpu.CompilerParams(needs_layout_passes=False),
        scratch_types=(
            [pltpu.VMEM((INDIM,), jnp.float32) for _ in range(bpw)]
            + [pltpu.VMEM((OUTDIM,), jnp.float32) for _ in range(bpw)]
            + [pltpu.VMEM((CHUNK,), jnp.int32),
               pltpu.VMEM((CHUNK,), jnp.float32),
               pltpu.VMEM((CHUNK,), jnp.int32),
               pltpu.VMEM((CHUNK,), jnp.float32),
               pltpu.SemaphoreType.DMA,
               pltpu.SemaphoreType.DMA,
               pltpu.SemaphoreType.DMA]
        ),
    )
    def f(in_hbm, w_hbm, bias_hbm, pk_hbm, out_hbm, *scratch):
        inp_v = scratch[:bpw]
        acc_v = scratch[bpw:2 * bpw]
        bufa = scratch[2 * bpw:2 * bpw + 2]
        bufb = scratch[2 * bpw + 2:2 * bpw + 4]
        sem_r, sem_a, sem_b = scratch[2 * bpw + 4:]
        hbms = (pk_hbm, w_hbm)

        def start(c, bufs, sem):
            for hbm, v in zip(hbms, bufs):
                pltpu.async_copy(hbm.at[pl.ds(c * CHUNK, CHUNK)], v, sem)

        def drain(bufs, sem):
            for hbm, v in zip(hbms, bufs):
                pltpu.make_async_copy(hbm.at[pl.ds(0, CHUNK)], v, sem).wait()

        def process(bufs):
            pk_v, w_v = bufs

            @plsc.parallel_loop(0, CHUNK // (2 * L), unroll=UNROLL // 2)
            def body(t):
                for g in range(2):
                    pk = pk_v[pl.ds((t * 2 + g) * L, L)]
                    ii = pk & 0xFFFF
                    io = lax.shift_right_logical(pk, 16)
                    wv = w_v[pl.ds((t * 2 + g) * L, L)]
                    for b in range(bpw):
                        x = plsc.load_gather(inp_v[b], [ii]) * wv
                        plsc.addupdate_scatter(acc_v[b], [io], x)

        wid = lax.axis_index("s") * info.num_cores + lax.axis_index("c")
        b0 = wid * bpw

        start(0, bufa, sem_a)
        row_cps = []
        for b in range(bpw):
            row_cps.append(pltpu.async_copy(in_hbm.at[b0 + b], inp_v[b], sem_r))
            row_cps.append(pltpu.async_copy(bias_hbm, acc_v[b], sem_r))
        for cp in row_cps:
            cp.wait()

        def pair_body(p, _):
            start(2 * p + 1, bufb, sem_b)
            drain(bufa, sem_a)
            process(bufa)

            @pl.when(p + 1 < n_pairs)
            def _():
                start(2 * p + 2, bufa, sem_a)

            drain(bufb, sem_b)
            process(bufb)
            return ()

        lax.fori_loop(0, n_pairs, pair_body, ())

        for b in range(bpw):
            pltpu.sync_copy(acc_v[b], out_hbm.at[b0 + b])

    return f


def kernel(_input, weight, bias, ind_in, ind_out):
    B, INDIM = _input.shape
    OUTDIM = bias.shape[0]
    nnz = weight.shape[0]
    step = 2 * CHUNK
    nnzp = ((nnz + step - 1) // step) * step
    pad = nnzp - nnz
    packed = jnp.bitwise_or(jnp.left_shift(ind_out, 16), ind_in)
    if pad:
        spread = jnp.arange(pad, dtype=jnp.int32)
        weight = jnp.concatenate([weight, jnp.zeros((pad,), weight.dtype)])
        pad_pk = jnp.bitwise_or(
            jnp.left_shift(spread % OUTDIM, 16), spread % INDIM)
        packed = jnp.concatenate([packed, pad_pk])
    f = _sc_call(B, INDIM, OUTDIM, nnzp)
    return f(_input, weight, bias, packed)

# --- scband reference (transcript-rebuilt; emitter-appended) ---
"""Pipeline reference for scband-expander-scatter-linear-8418135900214 (READ-ONLY COPY).

The authoritative reference and input builder live on the scoring server;
editing this copy changes nothing except your own understanding.
"""

import jax, jax.numpy as jnp
import numpy as np

INDIM = 16384
OUTDIM = 16384
NNZ = 268435
B = 64

def setup_inputs(seed: int = 0) -> dict:
    key = jax.random.key(seed)
    k1, k2, k3, k4, k5 = jax.random.split(key, 5)
    stdv = (2.0 / INDIM) ** 0.5
    inp = {}
    inp["_input"] = jax.random.normal(k1, (B, INDIM), dtype=jnp.float32)
    inp["weight"] = jax.random.normal(k2, (NNZ,), dtype=jnp.float32) * stdv
    inp["bias"] = jax.random.normal(k3, (OUTDIM,), dtype=jnp.float32) * stdv
    inp["ind_in"] = jax.random.randint(k4, (NNZ,), 0, INDIM, dtype=jnp.int32)
    inp["ind_out"] = jax.random.randint(k5, (NNZ,), 0, OUTDIM, dtype=jnp.int32)
    return inp

def reference(_input, weight, bias, ind_in, ind_out):
    # x = _input[:, ind_in]  (gather columns per nnz entry)
    x = jnp.take(_input, ind_in, axis=1)          # [B, NNZ]
    # elementwise multiply with per-connection weight
    x = x * weight                                 # [B, NNZ]
    # scatter_add into output dims indexed by ind_out
    out = jnp.zeros((_input.shape[0], OUTDIM), dtype=x.dtype)
    out = out.at[:, ind_out].add(x)                # [B, OUTDIM]
    # bias add
    out = out + bias
    return out

if __name__ == "__main__":
    import jax
    _d = setup_inputs()
    print(jax.jit(kernel)(*tuple(_d.values())))

</pallas_src>

<mosaic_0001>
#map = affine_map<(d0, d1) -> (0, 0)>
#map1 = affine_map<(d0, d1) -> (0)>
module attributes {stable_mosaic.version = 14 : i64} {
  func.func @f(%arg0: i32, %arg1: i32, %arg2: memref<64x16384xf32, #tpu.memory_space<hbm>>, %arg3: memref<270336xf32, #tpu.memory_space<hbm>>, %arg4: memref<16384xf32, #tpu.memory_space<hbm>>, %arg5: memref<270336xi32, #tpu.memory_space<hbm>>, %arg6: memref<64x16384xf32, #tpu.memory_space<hbm>>, %arg7: memref<16384xf32, #tpu.memory_space<vmem>>, %arg8: memref<16384xf32, #tpu.memory_space<vmem>>, %arg9: memref<16384xf32, #tpu.memory_space<vmem>>, %arg10: memref<16384xf32, #tpu.memory_space<vmem>>, %arg11: memref<4096xi32, #tpu.memory_space<vmem>>, %arg12: memref<4096xf32, #tpu.memory_space<vmem>>, %arg13: memref<4096xi32, #tpu.memory_space<vmem>>, %arg14: memref<4096xf32, #tpu.memory_space<vmem>>, %arg15: memref<!tpu.dma_semaphore, #tpu.memory_space<semaphore_mem>>, %arg16: memref<!tpu.dma_semaphore, #tpu.memory_space<semaphore_mem>>, %arg17: memref<!tpu.dma_semaphore, #tpu.memory_space<semaphore_mem>>) attributes {dimension_semantics = [#tpu.dimension_semantics<core_parallel>, #tpu.dimension_semantics<subcore_parallel>], iteration_bounds = array<i64: 2, 16>, scalar_prefetch = 0 : i64, scratch_operands = 11 : i64, tpu.core_type = #tpu.core_type<sc_vector_subcore>, window_params = [{transform_indices = #map}, {transform_indices = #map1}, {transform_indices = #map1}, {transform_indices = #map1}, {transform_indices = #map}]} {
    %mul3A = arith.constant 2 : i32
    %mul3A_0 = arith.muli %arg1, %mul3A : i32
    %add3A = arith.addi %mul3A_0, %arg0 : i32
    %mul3A_1 = arith.constant 2 : i32
    %mul3A_2 = arith.muli %add3A, %mul3A_1 : i32
    %dma_start3A = arith.constant 0 : i32
    %dma_start3A_3 = tpu.memref_slice %arg5[%dma_start3A] : memref<270336xi32, #tpu.memory_space<hbm>> -> memref<4096xi32, #tpu.memory_space<hbm>>
    %dma_start3A_4 = arith.constant 0 : i32
    %dma_start3A_5 = tpu.memref_slice %arg5[%dma_start3A_4] : memref<270336xi32, #tpu.memory_space<hbm>> -> memref<4096xi32, #tpu.memory_space<hbm>>
    tpu.enqueue_dma source(%dma_start3A_5 : memref<4096xi32, #tpu.memory_space<hbm>>) target(%arg11 : memref<4096xi32, #tpu.memory_space<vmem>>) target_semaphore(%arg16 : memref<!tpu.dma_semaphore, #tpu.memory_space<semaphore_mem>>)
    %dma_start3A_6 = arith.constant 0 : i32
    %dma_start3A_7 = tpu.memref_slice %arg3[%dma_start3A_6] : memref<270336xf32, #tpu.memory_space<hbm>> -> memref<4096xf32, #tpu.memory_space<hbm>>
    %dma_start3A_8 = arith.constant 0 : i32
    %dma_start3A_9 = tpu.memref_slice %arg3[%dma_start3A_8] : memref<270336xf32, #tpu.memory_space<hbm>> -> memref<4096xf32, #tpu.memory_space<hbm>>
    tpu.enqueue_dma source(%dma_start3A_9 : memref<4096xf32, #tpu.memory_space<hbm>>) target(%arg12 : memref<4096xf32, #tpu.memory_space<vmem>>) target_semaphore(%arg16 : memref<!tpu.dma_semaphore, #tpu.memory_space<semaphore_mem>>)
    %add3A_10 = arith.constant 0 : i32
    %add3A_11 = arith.addi %mul3A_2, %add3A_10 : i32
    %dma_start3A_12 = arith.constant 0 : i32
    %dma_start3A_13 = tpu.memref_slice %arg2[%add3A_11, %dma_start3A_12] : memref<64x16384xf32, #tpu.memory_space<hbm>> -> memref<1x16384xf32, #tpu.memory_space<hbm>>
    %dma_start3A_14 = tpu.memref_squeeze %dma_start3A_13 : memref<1x16384xf32, #tpu.memory_space<hbm>> -> memref<16384xf32, #tpu.memory_space<hbm>>
    %dma_start3A_15 = arith.constant 0 : i32
    %dma_start3A_16 = tpu.memref_slice %arg2[%add3A_11, %dma_start3A_15] : memref<64x16384xf32, #tpu.memory_space<hbm>> -> memref<1x16384xf32, #tpu.memory_space<hbm>>
    %dma_start3A_17 = tpu.memref_squeeze %dma_start3A_16 : memref<1x16384xf32, #tpu.memory_space<hbm>> -> memref<16384xf32, #tpu.memory_space<hbm>>
    tpu.enqueue_dma source(%dma_start3A_17 : memref<16384xf32, #tpu.memory_space<hbm>>) target(%arg7 : memref<16384xf32, #tpu.memory_space<vmem>>) target_semaphore(%arg15 : memref<!tpu.dma_semaphore, #tpu.memory_space<semaphore_mem>>)
    tpu.enqueue_dma source(%arg4 : memref<16384xf32, #tpu.memory_space<hbm>>) target(%arg9 : memref<16384xf32, #tpu.memory_space<vmem>>) target_semaphore(%arg15 : memref<!tpu.dma_semaphore, #tpu.memory_space<semaphore_mem>>)
    %add3A_18 = arith.constant 1 : i32
    %add3A_19 = arith.addi %mul3A_2, %add3A_18 : i32
    %dma_start3A_20 = arith.constant 0 : i32
    %dma_start3A_21 = tpu.memref_slice %arg2[%add3A_19, %dma_start3A_20] : memref<64x16384xf32, #tpu.memory_space<hbm>> -> memref<1x16384xf32, #tpu.memory_space<hbm>>
    %dma_start3A_22 = tpu.memref_squeeze %dma_start3A_21 : memref<1x16384xf32, #tpu.memory_space<hbm>> -> memref<16384xf32, #tpu.memory_space<hbm>>
    %dma_start3A_23 = arith.constant 0 : i32
    %dma_start3A_24 = tpu.memref_slice %arg2[%add3A_19, %dma_start3A_23] : memref<64x16384xf32, #tpu.memory_space<hbm>> -> memref<1x16384xf32, #tpu.memory_space<hbm>>
    %dma_start3A_25 = tpu.memref_squeeze %dma_start3A_24 : memref<1x16384xf32, #tpu.memory_space<hbm>> -> memref<16384xf32, #tpu.memory_space<hbm>>
    tpu.enqueue_dma source(%dma_start3A_25 : memref<16384xf32, #tpu.memory_space<hbm>>) target(%arg8 : memref<16384xf32, #tpu.memory_space<vmem>>) target_semaphore(%arg15 : memref<!tpu.dma_semaphore, #tpu.memory_space<semaphore_mem>>)
    tpu.enqueue_dma source(%arg4 : memref<16384xf32, #tpu.memory_space<hbm>>) target(%arg10 : memref<16384xf32, #tpu.memory_space<vmem>>) target_semaphore(%arg15 : memref<!tpu.dma_semaphore, #tpu.memory_space<semaphore_mem>>)
    %dma_wait3A = arith.constant 0 : i32
    %dma_wait3A_26 = tpu.memref_slice %arg2[%add3A_11, %dma_wait3A] : memref<64x16384xf32, #tpu.memory_space<hbm>> -> memref<1x16384xf32, #tpu.memory_space<hbm>>
    %dma_wait3A_27 = tpu.memref_squeeze %dma_wait3A_26 : memref<1x16384xf32, #tpu.memory_space<hbm>> -> memref<16384xf32, #tpu.memory_space<hbm>>
    %dma_wait3A_28 = arith.constant 0 : i32
    %dma_wait3A_29 = tpu.memref_slice %arg2[%add3A_11, %dma_wait3A_28] : memref<64x16384xf32, #tpu.memory_space<hbm>> -> memref<1x16384xf32, #tpu.memory_space<hbm>>
    %dma_wait3A_30 = tpu.memref_squeeze %dma_wait3A_29 : memref<1x16384xf32, #tpu.memory_space<hbm>> -> memref<16384xf32, #tpu.memory_space<hbm>>
    tpu.wait_dma2 semaphore(%arg15 : memref<!tpu.dma_semaphore, #tpu.memory_space<semaphore_mem>>) src(%dma_wait3A_30 : memref<16384xf32, #tpu.memory_space<hbm>>) dst(%arg7 : memref<16384xf32, #tpu.memory_space<vmem>>)
    tpu.wait_dma2 semaphore(%arg15 : memref<!tpu.dma_semaphore, #tpu.memory_space<semaphore_mem>>) src(%arg4 : memref<16384xf32, #tpu.memory_space<hbm>>) dst(%arg9 : memref<16384xf32, #tpu.memory_space<vmem>>)
    %dma_wait3A_31 = arith.constant 0 : i32
    %dma_wait3A_32 = tpu.memref_slice %arg2[%add3A_19, %dma_wait3A_31] : memref<64x16384xf32, #tpu.memory_space<hbm>> -> memref<1x16384xf32, #tpu.memory_space<hbm>>
    %dma_wait3A_33 = tpu.memref_squeeze %dma_wait3A_32 : memref<1x16384xf32, #tpu.memory_space<hbm>> -> memref<16384xf32, #tpu.memory_space<hbm>>
    %dma_wait3A_34 = arith.constant 0 : i32
    %dma_wait3A_35 = tpu.memref_slice %arg2[%add3A_19, %dma_wait3A_34] : memref<64x16384xf32, #tpu.memory_space<hbm>> -> memref<1x16384xf32, #tpu.memory_space<hbm>>
    %dma_wait3A_36 = tpu.memref_squeeze %dma_wait3A_35 : memref<1x16384xf32, #tpu.memory_space<hbm>> -> memref<16384xf32, #tpu.memory_space<hbm>>
    tpu.wait_dma2 semaphore(%arg15 : memref<!tpu.dma_semaphore, #tpu.memory_space<semaphore_mem>>) src(%dma_wait3A_36 : memref<16384xf32, #tpu.memory_space<hbm>>) dst(%arg8 : memref<16384xf32, #tpu.memory_space<vmem>>)
    tpu.wait_dma2 semaphore(%arg15 : memref<!tpu.dma_semaphore, #tpu.memory_space<semaphore_mem>>) src(%arg4 : memref<16384xf32, #tpu.memory_space<hbm>>) dst(%arg10 : memref<16384xf32, #tpu.memory_space<vmem>>)
    %scan3A = arith.constant 0 : i32
    %scan3A_37 = arith.constant 33 : i32
    %scan3A_38 = arith.addi %scan3A, %scan3A_37 : i32
    %scan3A_39 = arith.constant 1 : i32
    scf.for %scan3A_45 = %scan3A to %scan3A_38 step %scan3A_39  : i32 {
      %mul3A_46 = arith.constant 2 : i32
      %mul3A_47 = arith.muli %mul3A_46, %scan3A_45 : i32
      %add3A_48 = arith.constant 1 : i32
      %add3A_49 = arith.addi %mul3A_47, %add3A_48 : i32
      %mul3A_50 = arith.constant 4096 : i32
      %mul3A_51 = arith.muli %add3A_49, %mul3A_50 : i32
      %dma_start3A_52 = tpu.memref_slice %arg5[%mul3A_51] : memref<270336xi32, #tpu.memory_space<hbm>> -> memref<4096xi32, #tpu.memory_space<hbm>>
      %dma_start3A_53 = tpu.memref_slice %arg5[%mul3A_51] : memref<270336xi32, #tpu.memory_space<hbm>> -> memref<4096xi32, #tpu.memory_space<hbm>>
      tpu.enqueue_dma source(%dma_start3A_53 : memref<4096xi32, #tpu.memory_space<hbm>>) target(%arg13 : memref<4096xi32, #tpu.memory_space<vmem>>) target_semaphore(%arg17 : memref<!tpu.dma_semaphore, #tpu.memory_space<semaphore_mem>>)
      %mul3A_54 = arith.constant 4096 : i32
      %mul3A_55 = arith.muli %add3A_49, %mul3A_54 : i32
      %dma_start3A_56 = tpu.memref_slice %arg3[%mul3A_55] : memref<270336xf32, #tpu.memory_space<hbm>> -> memref<4096xf32, #tpu.memory_space<hbm>>
      %dma_start3A_57 = tpu.memref_slice %arg3[%mul3A_55] : memref<270336xf32, #tpu.memory_space<hbm>> -> memref<4096xf32, #tpu.memory_space<hbm>>
      tpu.enqueue_dma source(%dma_start3A_57 : memref<4096xf32, #tpu.memory_space<hbm>>) target(%arg14 : memref<4096xf32, #tpu.memory_space<vmem>>) target_semaphore(%arg17 : memref<!tpu.dma_semaphore, #tpu.memory_space<semaphore_mem>>)
      %dma_wait3A_58 = arith.constant 0 : i32
      %dma_wait3A_59 = tpu.memref_slice %arg5[%dma_wait3A_58] : memref<270336xi32, #tpu.memory_space<hbm>> -> memref<4096xi32, #tpu.memory_space<hbm>>
      %dma_wait3A_60 = arith.constant 0 : i32
      %dma_wait3A_61 = tpu.memref_slice %arg5[%dma_wait3A_60] : memref<270336xi32, #tpu.memory_space<hbm>> -> memref<4096xi32, #tpu.memory_space<hbm>>
      tpu.wait_dma2 semaphore(%arg16 : memref<!tpu.dma_semaphore, #tpu.memory_space<semaphore_mem>>) src(%dma_wait3A_61 : memref<4096xi32, #tpu.memory_space<hbm>>) dst(%arg11 : memref<4096xi32, #tpu.memory_space<vmem>>)
      %dma_wait3A_62 = arith.constant 0 : i32
      %dma_wait3A_63 = tpu.memref_slice %arg3[%dma_wait3A_62] : memref<270336xf32, #tpu.memory_space<hbm>> -> memref<4096xf32, #tpu.memory_space<hbm>>
      %dma_wait3A_64 = arith.constant 0 : i32
      %dma_wait3A_65 = tpu.memref_slice %arg3[%dma_wait3A_64] : memref<270336xf32, #tpu.memory_space<hbm>> -> memref<4096xf32, #tpu.memory_space<hbm>>
      tpu.wait_dma2 semaphore(%arg16 : memref<!tpu.dma_semaphore, #tpu.memory_space<semaphore_mem>>) src(%dma_wait3A_65 : memref<4096xf32, #tpu.memory_space<hbm>>) dst(%arg12 : memref<4096xf32, #tpu.memory_space<vmem>>)
      %parallel_loop3A = arith.constant 0 : i32
      %parallel_loop3A_66 = arith.constant 128 : i32
      %parallel_loop3A_67 = arith.constant 1 : i32
      scf.for %parallel_loop3A_83 = %parallel_loop3A to %parallel_loop3A_66 step %parallel_loop3A_67  : i32 {
        %parallel_loop3A_84 = arith.constant 2 : i32
        %parallel_loop3A_85 = arith.muli %parallel_loop3A_83, %parallel_loop3A_84 : i32
        %parallel_loop3A_86 = arith.constant 0 : i32
        %parallel_loop3A_87 = arith.addi %parallel_loop3A_85, %parallel_loop3A_86 : i32
        %parallel_loop3A_88 = arith.constant 16 : i32
        %parallel_loop3A_89 = arith.muli %parallel_loop3A_87, %parallel_loop3A_88 : i32
        %parallel_loop3A_90 = arith.index_cast %parallel_loop3A_89 : i32 to index
        %parallel_loop3A_91 = tpu.vector_load %arg11[%parallel_loop3A_90] {strides = array<i32>} : memref<4096xi32, #tpu.memory_space<vmem>>, vector<16xi32>,
        %parallel_loop3A_92 = arith.constant 65535 : i32
        %parallel_loop3A_93 = vector.broadcast %parallel_loop3A_92 : i32 to vector<16xi32>
        %parallel_loop3A_94 = arith.andi %parallel_loop3A_91, %parallel_loop3A_93 : vector<16xi32>
        %parallel_loop3A_95 = arith.constant 16 : i32
        %parallel_loop3A_96 = vector.broadcast %parallel_loop3A_95 : i32 to vector<16xi32>
        %parallel_loop3A_97 = arith.shrui %parallel_loop3A_91, %parallel_loop3A_96 : vector<16xi32>
        %parallel_loop3A_98 = arith.constant 2 : i32
        %parallel_loop3A_99 = arith.muli %parallel_loop3A_83, %parallel_loop3A_98 : i32
        %parallel_loop3A_100 = arith.constant 0 : i32
        %parallel_loop3A_101 = arith.addi %parallel_loop3A_99, %parallel_loop3A_100 : i32
        %parallel_loop3A_102 = arith.constant 16 : i32
        %parallel_loop3A_103 = arith.muli %parallel_loop3A_101, %parallel_loop3A_102 : i32
        %parallel_loop3A_104 = arith.index_cast %parallel_loop3A_103 : i32 to index
        %parallel_loop3A_105 = tpu.vector_load %arg12[%parallel_loop3A_104] {strides = array<i32>} : memref<4096xf32, #tpu.memory_space<vmem>>, vector<16xf32>,
        %parallel_loop3A_106 = tpu.vector_load_idx %arg7[%parallel_loop3A_94] : memref<16384xf32, #tpu.memory_space<vmem>>[vector<16xi32>], vector<16xf32>,
        %parallel_loop3A_107 = arith.mulf %parallel_loop3A_106, %parallel_loop3A_105 : vector<16xf32>
        tpu.vector_store_idx %arg9[%parallel_loop3A_97], %parallel_loop3A_107 {add = true} : memref<16384xf32, #tpu.memory_space<vmem>>[vector<16xi32>], vector<16xf32>,
        %parallel_loop3A_108 = tpu.vector_load_idx %arg8[%parallel_loop3A_94] : memref<16384xf32, #tpu.memory_space<vmem>>[vector<16xi32>], vector<16xf32>,
        %parallel_loop3A_109 = arith.mulf %parallel_loop3A_108, %parallel_loop3A_105 : vector<16xf32>
        tpu.vector_store_idx %arg10[%parallel_loop3A_97], %parallel_loop3A_109 {add = true} : memref<16384xf32, #tpu.memory_space<vmem>>[vector<16xi32>], vector<16xf32>,
        %parallel_loop3A_110 = arith.constant 2 : i32
        %parallel_loop3A_111 = arith.muli %parallel_loop3A_83, %parallel_loop3A_110 : i32
        %parallel_loop3A_112 = arith.constant 1 : i32
        %parallel_loop3A_113 = arith.addi %parallel_loop3A_111, %parallel_loop3A_112 : i32
        %parallel_loop3A_114 = arith.constant 16 : i32
        %parallel_loop3A_115 = arith.muli %parallel_loop3A_113, %parallel_loop3A_114 : i32
        %parallel_loop3A_116 = arith.index_cast %parallel_loop3A_115 : i32 to index
        %parallel_loop3A_117 = tpu.vector_load %arg11[%parallel_loop3A_116] {strides = array<i32>} : memref<4096xi32, #tpu.memory_space<vmem>>, vector<16xi32>,
        %parallel_loop3A_118 = arith.constant 65535 : i32
        %parallel_loop3A_119 = vector.broadcast %parallel_loop3A_118 : i32 to vector<16xi32>
        %parallel_loop3A_120 = arith.andi %parallel_loop3A_117, %parallel_loop3A_119 : vector<16xi32>
        %parallel_loop3A_121 = arith.constant 16 : i32
        %parallel_loop3A_122 = vector.broadcast %parallel_loop3A_121 : i32 to vector<16xi32>
        %parallel_loop3A_123 = arith.shrui %parallel_loop3A_117, %parallel_loop3A_122 : vector<16xi32>
        %parallel_loop3A_124 = arith.constant 2 : i32
        %parallel_loop3A_125 = arith.muli %parallel_loop3A_83, %parallel_loop3A_124 : i32
        %parallel_loop3A_126 = arith.constant 1 : i32
        %parallel_loop3A_127 = arith.addi %parallel_loop3A_125, %parallel_loop3A_126 : i32
        %parallel_loop3A_128 = arith.constant 16 : i32
        %parallel_loop3A_129 = arith.muli %parallel_loop3A_127, %parallel_loop3A_128 : i32
        %parallel_loop3A_130 = arith.index_cast %parallel_loop3A_129 : i32 to index
        %parallel_loop3A_131 = tpu.vector_load %arg12[%parallel_loop3A_130] {strides = array<i32>} : memref<4096xf32, #tpu.memory_space<vmem>>, vector<16xf32>,
        %parallel_loop3A_132 = tpu.vector_load_idx %arg7[%parallel_loop3A_120] : memref<16384xf32, #tpu.memory_space<vmem>>[vector<16xi32>], vector<16xf32>,
        %parallel_loop3A_133 = arith.mulf %parallel_loop3A_132, %parallel_loop3A_131 : vector<16xf32>
        tpu.vector_store_idx %arg9[%parallel_loop3A_123], %parallel_loop3A_133 {add = true} : memref<16384xf32, #tpu.memory_space<vmem>>[vector<16xi32>], vector<16xf32>,
        %parallel_loop3A_134 = tpu.vector_load_idx %arg8[%parallel_loop3A_120] : memref<16384xf32, #tpu.memory_space<vmem>>[vector<16xi32>], vector<16xf32>,
        %parallel_loop3A_135 = arith.mulf %parallel_loop3A_134, %parallel_loop3A_131 : vector<16xf32>
        tpu.vector_store_idx %arg10[%parallel_loop3A_123], %parallel_loop3A_135 {add = true} : memref<16384xf32, #tpu.memory_space<vmem>>[vector<16xi32>], vector<16xf32>,
      } {sc.loop_unroll_factor = 4 : i64, sc.parallel_access}
      %add3A_68 = arith.constant 1 : i32
      %add3A_69 = arith.addi %scan3A_45, %add3A_68 : i32
      %lt3A = arith.constant 33 : i32
      %lt3A_70 = arith.cmpi slt, %add3A_69, %lt3A : i32
      %convert_element_type3A = arith.extui %lt3A_70 : i1 to i32
      %cond3A = arith.constant 0 : i32
      %cond3A_71 = arith.cmpi ne, %convert_element_type3A, %cond3A : i32
      scf.if %cond3A_71 {
        %mul3A_83 = arith.constant 2 : i32
        %mul3A_84 = arith.muli %mul3A_83, %scan3A_45 : i32
        %add3A_85 = arith.constant 2 : i32
        %add3A_86 = arith.addi %mul3A_84, %add3A_85 : i32
        %mul3A_87 = arith.constant 4096 : i32
        %mul3A_88 = arith.muli %add3A_86, %mul3A_87 : i32
        %dma_start3A_89 = tpu.memref_slice %arg5[%mul3A_88] : memref<270336xi32, #tpu.memory_space<hbm>> -> memref<4096xi32, #tpu.memory_space<hbm>>
        %dma_start3A_90 = tpu.memref_slice %arg5[%mul3A_88] : memref<270336xi32, #tpu.memory_space<hbm>> -> memref<4096xi32, #tpu.memory_space<hbm>>
        tpu.enqueue_dma source(%dma_start3A_90 : memref<4096xi32, #tpu.memory_space<hbm>>) target(%arg11 : memref<4096xi32, #tpu.memory_space<vmem>>) target_semaphore(%arg16 : memref<!tpu.dma_semaphore, #tpu.memory_space<semaphore_mem>>)
        %mul3A_91 = arith.constant 4096 : i32
        %mul3A_92 = arith.muli %add3A_86, %mul3A_91 : i32
        %dma_start3A_93 = tpu.memref_slice %arg3[%mul3A_92] : memref<270336xf32, #tpu.memory_space<hbm>> -> memref<4096xf32, #tpu.memory_space<hbm>>
        %dma_start3A_94 = tpu.memref_slice %arg3[%mul3A_92] : memref<270336xf32, #tpu.memory_space<hbm>> -> memref<4096xf32, #tpu.memory_space<hbm>>
        tpu.enqueue_dma source(%dma_start3A_94 : memref<4096xf32, #tpu.memory_space<hbm>>) target(%arg12 : memref<4096xf32, #tpu.memory_space<vmem>>) target_semaphore(%arg16 : memref<!tpu.dma_semaphore, #tpu.memory_space<semaphore_mem>>)
      } else {
      }
      %dma_wait3A_72 = arith.constant 0 : i32
      %dma_wait3A_73 = tpu.memref_slice %arg5[%dma_wait3A_72] : memref<270336xi32, #tpu.memory_space<hbm>> -> memref<4096xi32, #tpu.memory_space<hbm>>
      %dma_wait3A_74 = arith.constant 0 : i32
      %dma_wait3A_75 = tpu.memref_slice %arg5[%dma_wait3A_74] : memref<270336xi32, #tpu.memory_space<hbm>> -> memref<4096xi32, #tpu.memory_space<hbm>>
      tpu.wait_dma2 semaphore(%arg17 : memref<!tpu.dma_semaphore, #tpu.memory_space<semaphore_mem>>) src(%dma_wait3A_75 : memref<4096xi32, #tpu.memory_space<hbm>>) dst(%arg13 : memref<4096xi32, #tpu.memory_space<vmem>>)
      %dma_wait3A_76 = arith.constant 0 : i32
      %dma_wait3A_77 = tpu.memref_slice %arg3[%dma_wait3A_76] : memref<270336xf32, #tpu.memory_space<hbm>> -> memref<4096xf32, #tpu.memory_space<hbm>>
      %dma_wait3A_78 = arith.constant 0 : i32
      %dma_wait3A_79 = tpu.memref_slice %arg3[%dma_wait3A_78] : memref<270336xf32, #tpu.memory_space<hbm>> -> memref<4096xf32, #tpu.memory_space<hbm>>
      tpu.wait_dma2 semaphore(%arg17 : memref<!tpu.dma_semaphore, #tpu.memory_space<semaphore_mem>>) src(%dma_wait3A_79 : memref<4096xf32, #tpu.memory_space<hbm>>) dst(%arg14 : memref<4096xf32, #tpu.memory_space<vmem>>)
      %parallel_loop3A_80 = arith.constant 0 : i32
      %parallel_loop3A_81 = arith.constant 128 : i32
      %parallel_loop3A_82 = arith.constant 1 : i32
      scf.for %parallel_loop3A_83 = %parallel_loop3A_80 to %parallel_loop3A_81 step %parallel_loop3A_82  : i32 {
        %parallel_loop3A_84 = arith.constant 2 : i32
        %parallel_loop3A_85 = arith.muli %parallel_loop3A_83, %parallel_loop3A_84 : i32
        %parallel_loop3A_86 = arith.constant 0 : i32
        %parallel_loop3A_87 = arith.addi %parallel_loop3A_85, %parallel_loop3A_86 : i32
        %parallel_loop3A_88 = arith.constant 16 : i32
        %parallel_loop3A_89 = arith.muli %parallel_loop3A_87, %parallel_loop3A_88 : i32
        %parallel_loop3A_90 = arith.index_cast %parallel_loop3A_89 : i32 to index
        %parallel_loop3A_91 = tpu.vector_load %arg13[%parallel_loop3A_90] {strides = array<i32>} : memref<4096xi32, #tpu.memory_space<vmem>>, vector<16xi32>,
        %parallel_loop3A_92 = arith.constant 65535 : i32
        %parallel_loop3A_93 = vector.broadcast %parallel_loop3A_92 : i32 to vector<16xi32>
        %parallel_loop3A_94 = arith.andi %parallel_loop3A_91, %parallel_loop3A_93 : vector<16xi32>
        %parallel_loop3A_95 = arith.constant 16 : i32
        %parallel_loop3A_96 = vector.broadcast %parallel_loop3A_95 : i32 to vector<16xi32>
        %parallel_loop3A_97 = arith.shrui %parallel_loop3A_91, %parallel_loop3A_96 : vector<16xi32>
        %parallel_loop3A_98 = arith.constant 2 : i32
        %parallel_loop3A_99 = arith.muli %parallel_loop3A_83, %parallel_loop3A_98 : i32
        %parallel_loop3A_100 = arith.constant 0 : i32
        %parallel_loop3A_101 = arith.addi %parallel_loop3A_99, %parallel_loop3A_100 : i32
        %parallel_loop3A_102 = arith.constant 16 : i32
        %parallel_loop3A_103 = arith.muli %parallel_loop3A_101, %parallel_loop3A_102 : i32
        %parallel_loop3A_104 = arith.index_cast %parallel_loop3A_103 : i32 to index
        %parallel_loop3A_105 = tpu.vector_load %arg14[%parallel_loop3A_104] {strides = array<i32>} : memref<4096xf32, #tpu.memory_space<vmem>>, vector<16xf32>,
        %parallel_loop3A_106 = tpu.vector_load_idx %arg7[%parallel_loop3A_94] : memref<16384xf32, #tpu.memory_space<vmem>>[vector<16xi32>], vector<16xf32>,
        %parallel_loop3A_107 = arith.mulf %parallel_loop3A_106, %parallel_loop3A_105 : vector<16xf32>
        tpu.vector_store_idx %arg9[%parallel_loop3A_97], %parallel_loop3A_107 {add = true} : memref<16384xf32, #tpu.memory_space<vmem>>[vector<16xi32>], vector<16xf32>,
        %parallel_loop3A_108 = tpu.vector_load_idx %arg8[%parallel_loop3A_94] : memref<16384xf32, #tpu.memory_space<vmem>>[vector<16xi32>], vector<16xf32>,
        %parallel_loop3A_109 = arith.mulf %parallel_loop3A_108, %parallel_loop3A_105 : vector<16xf32>
        tpu.vector_store_idx %arg10[%parallel_loop3A_97], %parallel_loop3A_109 {add = true} : memref<16384xf32, #tpu.memory_space<vmem>>[vector<16xi32>], vector<16xf32>,
        %parallel_loop3A_110 = arith.constant 2 : i32
        %parallel_loop3A_111 = arith.muli %parallel_loop3A_83, %parallel_loop3A_110 : i32
        %parallel_loop3A_112 = arith.constant 1 : i32
        %parallel_loop3A_113 = arith.addi %parallel_loop3A_111, %parallel_loop3A_112 : i32
        %parallel_loop3A_114 = arith.constant 16 : i32
        %parallel_loop3A_115 = arith.muli %parallel_loop3A_113, %parallel_loop3A_114 : i32
        %parallel_loop3A_116 = arith.index_cast %parallel_loop3A_115 : i32 to index
        %parallel_loop3A_117 = tpu.vector_load %arg13[%parallel_loop3A_116] {strides = array<i32>} : memref<4096xi32, #tpu.memory_space<vmem>>, vector<16xi32>,
        %parallel_loop3A_118 = arith.constant 65535 : i32
        %parallel_loop3A_119 = vector.broadcast %parallel_loop3A_118 : i32 to vector<16xi32>
        %parallel_loop3A_120 = arith.andi %parallel_loop3A_117, %parallel_loop3A_119 : vector<16xi32>
        %parallel_loop3A_121 = arith.constant 16 : i32
        %parallel_loop3A_122 = vector.broadcast %parallel_loop3A_121 : i32 to vector<16xi32>
        %parallel_loop3A_123 = arith.shrui %parallel_loop3A_117, %parallel_loop3A_122 : vector<16xi32>
        %parallel_loop3A_124 = arith.constant 2 : i32
        %parallel_loop3A_125 = arith.muli %parallel_loop3A_83, %parallel_loop3A_124 : i32
        %parallel_loop3A_126 = arith.constant 1 : i32
        %parallel_loop3A_127 = arith.addi %parallel_loop3A_125, %parallel_loop3A_126 : i32
        %parallel_loop3A_128 = arith.constant 16 : i32
        %parallel_loop3A_129 = arith.muli %parallel_loop3A_127, %parallel_loop3A_128 : i32
        %parallel_loop3A_130 = arith.index_cast %parallel_loop3A_129 : i32 to index
        %parallel_loop3A_131 = tpu.vector_load %arg14[%parallel_loop3A_130] {strides = array<i32>} : memref<4096xf32, #tpu.memory_space<vmem>>, vector<16xf32>,
        %parallel_loop3A_132 = tpu.vector_load_idx %arg7[%parallel_loop3A_120] : memref<16384xf32, #tpu.memory_space<vmem>>[vector<16xi32>], vector<16xf32>,
        %parallel_loop3A_133 = arith.mulf %parallel_loop3A_132, %parallel_loop3A_131 : vector<16xf32>
        tpu.vector_store_idx %arg9[%parallel_loop3A_123], %parallel_loop3A_133 {add = true} : memref<16384xf32, #tpu.memory_space<vmem>>[vector<16xi32>], vector<16xf32>,
        %parallel_loop3A_134 = tpu.vector_load_idx %arg8[%parallel_loop3A_120] : memref<16384xf32, #tpu.memory_space<vmem>>[vector<16xi32>], vector<16xf32>,
        %parallel_loop3A_135 = arith.mulf %parallel_loop3A_134, %parallel_loop3A_131 : vector<16xf32>
        tpu.vector_store_idx %arg10[%parallel_loop3A_123], %parallel_loop3A_135 {add = true} : memref<16384xf32, #tpu.memory_space<vmem>>[vector<16xi32>], vector<16xf32>,
      } {sc.loop_unroll_factor = 4 : i64, sc.parallel_access}
    }
    %scan3A_40 = arith.constant 33 : i32
    %add3A_41 = arith.constant 0 : i32
    %add3A_42 = arith.addi %mul3A_2, %add3A_41 : i32
    "tpu.region"() ({
      %run_scoped3A = tpu.sem_alloc : memref<!tpu.dma_semaphore, #tpu.memory_space<semaphore_mem>>
      %dma_start3A_45 = arith.constant 0 : i32
      %dma_start3A_46 = tpu.memref_slice %arg6[%add3A_42, %dma_start3A_45] : memref<64x16384xf32, #tpu.memory_space<hbm>> -> memref<1x16384xf32, #tpu.memory_space<hbm>>
      %dma_start3A_47 = tpu.memref_squeeze %dma_start3A_46 : memref<1x16384xf32, #tpu.memory_space<hbm>> -> memref<16384xf32, #tpu.memory_space<hbm>>
      %dma_start3A_48 = arith.constant 0 : i32
      %dma_start3A_49 = tpu.memref_slice %arg6[%add3A_42, %dma_start3A_48] : memref<64x16384xf32, #tpu.memory_space<hbm>> -> memref<1x16384xf32, #tpu.memory_space<hbm>>
      %dma_start3A_50 = tpu.memref_squeeze %dma_start3A_49 : memref<1x16384xf32, #tpu.memory_space<hbm>> -> memref<16384xf32, #tpu.memory_space<hbm>>
      tpu.enqueue_dma source(%arg9 : memref<16384xf32, #tpu.memory_space<vmem>>) target(%dma_start3A_50 : memref<16384xf32, #tpu.memory_space<hbm>>) target_semaphore(%run_scoped3A : memref<!tpu.dma_semaphore, #tpu.memory_space<semaphore_mem>>)
      %dma_wait3A_51 = arith.constant 0 : i32
      %dma_wait3A_52 = tpu.memref_slice %arg6[%add3A_42, %dma_wait3A_51] : memref<64x16384xf32, #tpu.memory_space<hbm>> -> memref<1x16384xf32, #tpu.memory_space<hbm>>
      %dma_wait3A_53 = tpu.memref_squeeze %dma_wait3A_52 : memref<1x16384xf32, #tpu.memory_space<hbm>> -> memref<16384xf32, #tpu.memory_space<hbm>>
      %dma_wait3A_54 = arith.constant 0 : i32
      %dma_wait3A_55 = tpu.memref_slice %arg6[%add3A_42, %dma_wait3A_54] : memref<64x16384xf32, #tpu.memory_space<hbm>> -> memref<1x16384xf32, #tpu.memory_space<hbm>>
      %dma_wait3A_56 = tpu.memref_squeeze %dma_wait3A_55 : memref<1x16384xf32, #tpu.memory_space<hbm>> -> memref<16384xf32, #tpu.memory_space<hbm>>
      tpu.wait_dma2 semaphore(%run_scoped3A : memref<!tpu.dma_semaphore, #tpu.memory_space<semaphore_mem>>) src(%arg9 : memref<16384xf32, #tpu.memory_space<vmem>>) dst(%dma_wait3A_56 : memref<16384xf32, #tpu.memory_space<hbm>>)
      tpu.yield
    }) : () -> ()
    %add3A_43 = arith.constant 1 : i32
    %add3A_44 = arith.addi %mul3A_2, %add3A_43 : i32
    "tpu.region"() ({
      %run_scoped3A = tpu.sem_alloc : memref<!tpu.dma_semaphore, #tpu.memory_space<semaphore_mem>>
      %dma_start3A_45 = arith.constant 0 : i32
      %dma_start3A_46 = tpu.memref_slice %arg6[%add3A_44, %dma_start3A_45] : memref<64x16384xf32, #tpu.memory_space<hbm>> -> memref<1x16384xf32, #tpu.memory_space<hbm>>
      %dma_start3A_47 = tpu.memref_squeeze %dma_start3A_46 : memref<1x16384xf32, #tpu.memory_space<hbm>> -> memref<16384xf32, #tpu.memory_space<hbm>>
      %dma_start3A_48 = arith.constant 0 : i32
      %dma_start3A_49 = tpu.memref_slice %arg6[%add3A_44, %dma_start3A_48] : memref<64x16384xf32, #tpu.memory_space<hbm>> -> memref<1x16384xf32, #tpu.memory_space<hbm>>
      %dma_start3A_50 = tpu.memref_squeeze %dma_start3A_49 : memref<1x16384xf32, #tpu.memory_space<hbm>> -> memref<16384xf32, #tpu.memory_space<hbm>>
      tpu.enqueue_dma source(%arg10 : memref<16384xf32, #tpu.memory_space<vmem>>) target(%dma_start3A_50 : memref<16384xf32, #tpu.memory_space<hbm>>) target_semaphore(%run_scoped3A : memref<!tpu.dma_semaphore, #tpu.memory_space<semaphore_mem>>)
      %dma_wait3A_51 = arith.constant 0 : i32
      %dma_wait3A_52 = tpu.memref_slice %arg6[%add3A_44, %dma_wait3A_51] : memref<64x16384xf32, #tpu.memory_space<hbm>> -> memref<1x16384xf32, #tpu.memory_space<hbm>>
      %dma_wait3A_53 = tpu.memref_squeeze %dma_wait3A_52 : memref<1x16384xf32, #tpu.memory_space<hbm>> -> memref<16384xf32, #tpu.memory_space<hbm>>
      %dma_wait3A_54 = arith.constant 0 : i32
      %dma_wait3A_55 = tpu.memref_slice %arg6[%add3A_44, %dma_wait3A_54] : memref<64x16384xf32, #tpu.memory_space<hbm>> -> memref<1x16384xf32, #tpu.memory_space<hbm>>
      %dma_wait3A_56 = tpu.memref_squeeze %dma_wait3A_55 : memref<1x16384xf32, #tpu.memory_space<hbm>> -> memref<16384xf32, #tpu.memory_space<hbm>>
      tpu.wait_dma2 semaphore(%run_scoped3A : memref<!tpu.dma_semaphore, #tpu.memory_space<semaphore_mem>>) src(%arg10 : memref<16384xf32, #tpu.memory_space<vmem>>) dst(%dma_wait3A_56 : memref<16384xf32, #tpu.memory_space<hbm>>)
      tpu.yield
    }) : () -> ()
    return
  }
}

</mosaic_0001>

<sc_bundles>
// kernel: kernel.3.cloned.1.call-start
scs
__scs_entry_jumppad:
0x0: {  	(pc) =	sbr.rel $0x88, $3  }
0x1: {  	(tag) =	ssettag $0x0;
	lr =	simm.s32 $0x1  }
0x2: {  	[smem:$0x3F9C] =	sst lr;
	_ =	strace $0xD0000000  }
0x3: {  	_ = 	snop  }
0x4: {  	_ = 	snop  }
0x5: {  	_ = 	snop  }
0x6: {  	_ = 	snop  }
0x7: {  	_ = 	snop  }
__scs_overlays_trampoline_lowered:
0x8: {  	[smem:$0x3FAB] =	sst s0  }
0x9: {  	[smem:$0x3FAC] =	sst s1  }
0xa: {  	[smem:$0x3FAD] =	sst s2  }
0xb: {  	[smem:$0x3FAE] =	sst s3  }
0xc: {  	[smem:$0x3FAF] =	sst s4  }
0xd: {  	[smem:$0x3FB0] =	sst s5  }
0xe: {  	[smem:$0x3FB1] =	sst s6  }
0xf: {  	[smem:$0x3FB2] =	sst s7  }
0x10: {  	[smem:$0x3FB3] =	sst s8  }
0x11: {  	[smem:$0x3FB4] =	sst s9;
	s0 =	simm.s32 @!p0 $0x0  }
0x12: {  	s1 =	sld [smem:$0x3F9A];
	s0 =	simm.s32 @p0 $0x1  }
0x13: {  	[smem:$0x3FB5] =	sst s0;
	s0 =	simm.s32 @!p1 $0x0  }
0x14: {  	s2 =	sld [smem:$0x3F99];
	s0 =	simm.s32 @p1 $0x1  }
0x15: {  	[smem:$0x3FB6] =	sst s0;
	s0 =	simm.s32 @!p2 $0x0  }
0x16: {  	s3 =	sld [smem:$0x3FDB];
	s0 =	simm.s32 @p2 $0x1  }
0x17: {  	s4 =	simm.s32 $0x1BF5;
	[smem:$0x3FB8] =	sst s0  }
0x18: {  	s0 =	sld [smem:$0x3F9B];
	_ =	swait.ge [sflag:s4], $0x0  }
0x19: {  	s7 =	sld [smem:$0x3F9C]  }
0x1a: {  	s8 =	sadd.s32 $0xFFFFE003, lr  }
0x1b: {  	s9 =	sadd.s32 $0xFFFFFEF7, lr;
	s5 =	simm.s32 $0xFFFFFFFF;
	p2 =	slt.u32 s8, $0xFFFFF086  }
0x1c: {  	p1 =	slt.u32 s9, $0xF7A;
	s5 =	simm.s32 @!p2 $0x0  }
0x1d: {  	s5 =	simm.s32 @p1 $0x1;
	p0 =	seq.s32 s7, s2  }
0x1e: {  	s7 =	smul.u32 @!p0 $0xF7A, s2;
	p2 =	seq.s32 @!p0 s5, $0x0  }
0x1f: {  	s9 =	smul.u32 $0xF7A, s1;
	s8 =	simm.s32 @!p0 $0x1BF5;
	p2 =	por !p2, p0  }
0x20: {  	[sflag:s8] =	ssyncset.s32 @!p0 $0xFFFFF086;
	s6 =	sadd.s32 @!p0 s3, s7;
	s7 =	simm.s32 @!p0 $0x108  }
0x21: {  	s3 =	sadd.s32 s3, s9;
	s6 =	sadd.s32 @!p0 $0x88, s6;
	s7 =	simm.s32 @p2 $0x1082  }
0x22: {  	[simem:s7], [sflag:s8] =	dma.local @!p0 [hbm:s6], $0xF7A  }
0x23: {  	s9 =	sor.u32 $0xD0000000, s2;
	s6 =	simm.s32 $0x108;
	_ =	swait.ge @!p0 [sflag:s8], $0x0  }
0x24: {  	s3 =	sadd.s32 $0x88, s3;
	s6 =	simm.s32 @!p1 $0x1082;
	[sflag:s4] =	ssyncset.s32 $0xFFFFF086  }
0x25: {  	[simem:s6], [sflag:s4] =	dma.local [hbm:s3], $0xF7A  }
0x26: {  	[smem:$0x3F9C] =	sst s1;
	(tag) =	ssettag s2;
	_ =	strace s9  }
0x27: {  	s1 =	sld [smem:$0x3FAC]  }
0x28: {  	s2 =	sld [smem:$0x3FAD]  }
0x29: {  	s4 =	sld [smem:$0x3FAF]  }
0x2a: {  	p0 =	seq.s32 s5, $0x0;
	s5 =	sld [smem:$0x3FB0]  }
0x2b: {  	s6 =	sld [smem:$0x3FB1]  }
0x2c: {  	s7 =	sld [smem:$0x3FB2]  }
0x2d: {  	s3 =	simm.s32 $0x108;
	s8 =	sld [smem:$0x3FB3]  }
0x2e: {  	s3 =	simm.s32 @!p0 $0x1082;
	s9 =	sld [smem:$0x3FB4]  }
0x2f: {  	lr =	sadd.s32 s0, s3;
	s0 =	sld [smem:$0x3FAB]  }
0x30: {  	s3 =	sld [smem:$0x3FAE]  }
0x31: {  	[smem:$0x3FB7] =	sst s10  }
0x32: {  	s10 =	sld [smem:$0x3FB5];
	_ =	sdelay $0x3  }
0x33: {  	p0 =	seq.s32 s10, $0x1;
	s10 =	sld [smem:$0x3FB7];
	_ =	sdelay $0x3  }
0x34: {  	[smem:$0x3FB7] =	sst s10  }
0x35: {  	s10 =	sld [smem:$0x3FB6];
	_ =	sdelay $0x3  }
0x36: {  	p1 =	seq.s32 s10, $0x1;
	s10 =	sld [smem:$0x3FB7];
	_ =	sdelay $0x3  }
0x37: {  	[smem:$0x3FB7] =	sst s10  }
0x38: {  	s10 =	sld [smem:$0x3FB8]  }
0x39: {  	_ = 	snop;
	(pc) =	sbr.ind lr, $3  }
0x3a: {  	_ = 	snop  }
0x3b: {  	_ = 	snop  }
0x3c: {  	p2 =	seq.s32 s10, $0x1;
	s10 =	sld [smem:$0x3FB7]  }
0x3d: {  	_ =	shalt  }
0x3e: {  	_ =	shalt  }
0x3f: {  	_ =	shalt  }
0x40: {  	_ =	shalt  }
0x41: {  	_ =	shalt  }
0x42: {  	_ =	shalt  }
0x43: {  	_ =	shalt  }
0x44: {  	_ =	shalt  }
0x45: {  	_ =	shalt  }
0x46: {  	_ =	shalt  }
0x47: {  	_ =	shalt  }
0x48: {  	_ =	shalt  }
0x49: {  	_ =	shalt  }
0x4a: {  	_ =	shalt  }
0x4b: {  	_ =	shalt  }
0x4c: {  	_ =	shalt  }
0x4d: {  	_ =	shalt  }
0x4e: {  	_ =	shalt  }
0x4f: {  	_ =	shalt  }
0x50: {  	_ =	shalt  }
0x51: {  	_ =	shalt  }
0x52: {  	_ =	shalt  }
0x53: {  	_ =	shalt  }
0x54: {  	_ =	shalt  }
0x55: {  	_ =	shalt  }
0x56: {  	_ =	shalt  }
0x57: {  	_ =	shalt  }
0x58: {  	_ =	shalt  }
0x59: {  	_ =	shalt  }
0x5a: {  	_ =	shalt  }
0x5b: {  	_ =	shalt  }
0x5c: {  	_ =	shalt  }
0x5d: {  	_ =	shalt  }
0x5e: {  	_ =	shalt  }
0x5f: {  	_ =	shalt  }
0x60: {  	_ =	shalt  }
0x61: {  	_ =	shalt  }
0x62: {  	_ =	shalt  }
0x63: {  	_ =	shalt  }
0x64: {  	_ =	shalt  }
0x65: {  	_ =	shalt  }
0x66: {  	_ =	shalt  }
0x67: {  	_ =	shalt  }
0x68: {  	_ =	shalt  }
0x69: {  	_ =	shalt  }
0x6a: {  	_ =	shalt  }
0x6b: {  	_ =	shalt  }
0x6c: {  	_ =	shalt  }
0x6d: {  	_ =	shalt  }
0x6e: {  	_ =	shalt  }
0x6f: {  	_ =	shalt  }
0x70: {  	_ =	shalt  }
0x71: {  	_ =	shalt  }
0x72: {  	_ =	shalt  }
0x73: {  	_ =	shalt  }
0x74: {  	_ =	shalt  }
0x75: {  	_ =	shalt  }
0x76: {  	_ =	shalt  }
0x77: {  	_ =	shalt  }
0x78: {  	_ =	shalt  }
0x79: {  	_ =	shalt  }
0x7a: {  	_ =	shalt  }
0x7b: {  	_ =	shalt  }
0x7c: {  	_ =	shalt  }
0x7d: {  	_ =	shalt  }
0x7e: {  	_ =	shalt  }
0x7f: {  	_ =	shalt  }
0x80: {  	_ =	shalt  }
0x81: {  	_ =	shalt  }
0x82: {  	_ =	shalt  }
0x83: {  	_ =	shalt  }
0x84: {  	_ =	shalt  }
0x85: {  	_ =	shalt  }
0x86: {  	_ =	shalt  }
0x87: {  	_ =	shalt  }
.Lfunc_end0:
.L_simem_size_0:
called_computation_lowered:
.L_overlay_start_0:
0x88: {  	s2 =	sld [smem:$0x3FD9]  }
0x89: {  	s3 =	sld [smem:$0x3FFE];
	_ =	sdelay $0x1  }
0x8a: {  	s1 =	srdreg.scid  }
0x8b: {  	s0 =	sand.u32 $0x1, s1  }
0x8c: {  	s17 =	sshll.u32 s0, $0xA;
	s2 =	sadd.s32 s3, s2  }
0x8d: {  	s2 =	sadd.s32 s2, s17  }
0x8e: {  	[smem:$0x3FC3] =	sst s2  }
0x8f: {  	_ = 	snop  }
0x90: {  	s2 =	sld [smem:$0x3FC9]  }
0x91: {  	s18 =	sld [smem:$0x3FC7]  }
0x92: {  	s4 =	sld [smem:$0x3FD0];
	(tm) =	ssettm $0x1  }
0x93: {  	s5 =	sld [smem:$0x3FFB];
	_ =	sdelay $0x3  }
0x94: {  	_ =	strace s5  }
0x95: {  	s5 =	sld [smem:$0x3FFC];
	_ =	sdelay $0x3  }
0x96: {  	_ =	strace s5  }
0x97: {  	s5 =	sld [smem:$0x3FFD];
	_ =	sdelay $0x3  }
0x98: {  	_ =	strace s5  }
0x99: {  	_ =	strace $0x8FFFFFFF  }
0x9a: {  	s19 =	sld [smem:$0x3FDB];
	_ =	sdelay $0x1  }
0x9b: {  	s6 =	simm.s32 $_scs_section_size  }
0x9c: {  	s7 =	simm.s32 $_size__tile_overlayer_lowered;
	s8 =	simm.s32 $_tile_overlayer_lowered  }
0x9d: {  	s22 =	simm.s32 $0x1BFF;
	s21 =	sshll.u32 s8, $0x1;
	s5 =	sadd.s32 s6, s19  }
0x9e: {  	s9 =	simm.s32 $0x0;
	s20 =	sshll.u32 s7, $0x1;
	s7 =	sadd.s32 s21, s5  }
0x9f: {  	[timem:s9], [sflag:s22] =	dma.local [hbm:s7], s20  }
0xa0: {  	_ =	swait.ge [sflag:s22], s20  }
0xa1: {  	s6 =	ssub.s32 $0x0, s20;
	[sflag:s22] =	ssyncset.done $0x0  }
0xa2: {  	[sflag:s22] =	ssyncadd.s32 s6;
	_ =	sdelay $0x1  }
0xa3: {  	s23 =	simm.s32 $0x1B8B  }
0xa4: {  	_ =	swait.ge [sflag:s23], $0x1  }
0xa5: {  	[sflag:s23] =	ssyncset.done $0x0  }
0xa6: {  	s25 =	simm.s32 $0x1B8E;
	s24 =	sld [smem:$0x3FFE];
	[sflag:s23] =	ssyncadd.s32 $0xFFFFFFFF  }
0xa7: {  	s26 =	simm.s32 $execute0_lowered;
	[smem:$0x3FD2] =	sst s25  }
0xa8: {  	s7 =	sshll.u32 s26, $0x1;
	_ =	strace $0x80000046;
	[dreg:$0x1] =	wrdreg $0xFFFFFFFF  }
0xa9: {  	s28 =	simm.s32 $_size_execute0_lowered;
	s5 =	sadd.s32 s5, s7;
	[dreg:$0x0] =	wrdreg $0x0  }
0xaa: {  	s7 =	sshll.u32 s28, $0x1;
	[dreg:$0x2] =	wrdreg s5  }
0xab: {  	[dreg:$0x3] =	wrdreg s7  }
0xac: {  	[dreg:$0x4] =	wrdreg $0xC0  }
0xad: {  	_ =	task [dreg:s9], $0x5FFFF  }
0xae: {  	[dreg:$0x1] =	wrdreg $0xFFFFFFFF  }
0xaf: {  	[dreg:$0x0] =	wrdreg $0x60  }
0xb0: {  	[dreg:$0x2] =	wrdreg s2  }
0xb1: {  	[dreg:$0x3] =	wrdreg s24  }
0xb2: {  	[dreg:$0x4] =	wrdreg s18  }
0xb3: {  	[dreg:$0x5] =	wrdreg s4  }
0xb4: {  	[dreg:$0x6] =	wrdreg $0x9  }
0xb5: {  	_ =	task.clear_ibuf [dreg:s9], $0x7FFFF;
	_ =	strace $0x90000046  }
0xb6: {  	s29 =	simm.s32 $0x9;
	_ =	strace $0x80000048  }
0xb7: {  	_ =	swait.ge [sflag:s29], $0x1  }
0xb8: {  	[sflag:s29] =	ssyncadd.s32 $0xFFFFFFFF  }
0xb9: {  	_ =	strace $0x90000048  }
0xba: {  	_ =	sfence  }
0xbb: {  	s30 =	sld [smem:$0x0];
	_ =	sdelay $0x2  }
0xbc: {  	s31 =	sshll.u32 s1, $0xD;
	s1 =	sshrl.u32 s1, $0x2  }
0xbd: {  	s3 =	sand.u32 $0x4000, s31;
	s1 =	sadd.s32 s1, s30  }
0xbe: {  	s0 =	sor.u32 s3, s0;
	s1 =	sshll.u32 s1, $0x11  }
0xbf: {  	s0 =	sor.u32 s1, s0  }
0xc0: {  	s0 =	sadd.s32 $0x8F2B, s0  }
0xc1: {  	[sflag:s0] =	ssyncadd.remote.s32 $0x1  }
0xc2: {  	_ =	sfence.sel $0xFFFF  }
0xc3: {  	[dreg:$0x0] =	wrdreg $0xFFFFFFFF;
	(pc) =	sbr.abs _section_cstart, $3  }
0xc4: {  	[dreg:$0x1] =	wrdreg $0xFFFFFFFF  }
0xc5: {  	_ =	task.clear_ibuf [dreg:s9], $0x2FFFF;
	_ =	strace $0x9FFFFFFF  }
0xc6: {  	(tm) =	ssettm $0x7FFFFFFF  }
0xc7: {  	_ =	shalt  }
tec
execute0_lowered:
.L_overlay_start_1:
0x0: {  	(tag) =	ssettag $0x1  }
0x1: {  	s7 =	rddreg [dreg:$0x0]  }
0x2: {  	s5 =	rddreg [dreg:$0x1]  }
0x3: {  	s1 =	rddreg [dreg:$0x2]  }
0x4: {  	s9 =	rddreg [dreg:$0x3]  }
0x5: {  	s0 =	rddreg [dreg:$0x4];
	s3 =	simm.s32 $0x0;
	s6 =	srdreg.scid  }
0x6: {  	s2 =	stileid.u32;
	s12 =	simm.s32 $0x11000;
	s13 =	simm.s32 $0x80  }
0x7: {  	s14 =	simm.s32 $0x400;
	s15 =	simm.s32 $0x8000;
	s16 =	simm.s32 $0x4000  }
0x8: {  	s17 =	simm.s32 $0xC000;
	s18 =	simm.s32 $0x1;
	s19 =	simm.s32 $0x12000  }
0x9: {  	s20 =	simm.s32 $0x13000;
	s21 =	simm.s32 $0x2;
	s22 =	simm.s32 $0x3  }
0xa: {  	s23 =	simm.s32 $0x4;
	s24 =	simm.s32 $0x0;
	[smem:$0x7FF] =	sst s3  }
0xb: {  	s4 =	sadd.s32 $0x8A00, s5;
	s6 =	sand.u32 $0x1, s6;
	s8 =	sshll.u32 s2, $0x6  }
0xc: {  	s11 =	sshll.u32 s2, $0xD;
	s10 =	sshll.u32 s6, $0x5;
	s8 =	sand.u32 $0x40, s8  }
0xd: {  	s6 =	ssub.s32 $0x2, s6;
	s11 =	sand.u32 $0x1C000, s11;
	s8 =	sor.u32 s10, s8  }
0xe: {  	s5 =	sadd.s32 $0x600, s5;
	s31 =	sshrl.u32 s6, $0x1;
	s8 =	sor.u32 s11, s8  }
0xf: {  	_ =	strace $0x80000047;
	s10 =	ssub.s32 s6, s31;
	s6 =	sadd.s32 s7, s8  }
0x10: {  	s11 =	sor.u32 $0x10, s8;
	s8 =	sadd.s32 s9, s8;
	s10 =	smax.u32 s10, $0x1  }
0x11: {  	s7 =	sadd.s32 s7, s11;
	s9 =	sadd.s32 s9, s11;
	s11 =	simm.s32 $0x10000  }
.LBB2_1:
0x12: {  	[tilespmem:s11], [sflag:$0x2] =	stream.linear.gather [hbm4b:s5+s3], $0x1000, $0x38;
	[tilespmem:$0x14000] =	vst v63  }
0x13: {  	_ = 	snop  }
0x14: {  	[tilespmem:s12], [sflag:$0x2] =	stream.linear.gather [hbm4b:s4+s3], $0x1000, $0x38;
	[tilespmem:$0x14000] =	vst v63  }
0x15: {  	_ = 	snop  }
0x16: {  	[tilespmem:s3], [sflag:$0x1] =	stream.strided.gather [hbm4b:s6+s13], $0x4000, s14, s13, $0x38;
	[tilespmem:$0x14000] =	vst v63  }
0x17: {  	_ = 	snop  }
0x18: {  	[tilespmem:s15], [sflag:$0x1] =	stream.linear.gather [hbm4b:s1+s3], $0x4000, $0x38;
	[tilespmem:$0x14000] =	vst v63  }
0x19: {  	_ = 	snop  }
0x1a: {  	[tilespmem:s16], [sflag:$0x1] =	stream.strided.gather [hbm4b:s7+s13], $0x4000, s14, s13, $0x38;
	[tilespmem:$0x14000] =	vst v63  }
0x1b: {  	_ = 	snop  }
0x1c: {  	[tilespmem:s17], [sflag:$0x1] =	stream.linear.gather [hbm4b:s1+s3], $0x4000, $0x38;
	[tilespmem:$0x14000] =	vst v63  }
0x1d: {  	_ =	swait.ge [sflag:s18], $0x4000  }
0x1e: {  	[sflag:s18] =	ssyncset.done $0x0  }
0x1f: {  	[sflag:s18] =	ssyncadd.s32 $0xFFFFC000  }
0x20: {  	_ =	swait.ge [sflag:s18], $0x4000  }
0x21: {  	[sflag:s18] =	ssyncset.done $0x0  }
0x22: {  	[sflag:s18] =	ssyncadd.s32 $0xFFFFC000  }
0x23: {  	_ =	swait.ge [sflag:s18], $0x4000  }
0x24: {  	[sflag:s18] =	ssyncset.done $0x0  }
0x25: {  	[sflag:s18] =	ssyncadd.s32 $0xFFFFC000  }
0x26: {  	_ =	swait.ge [sflag:s18], $0x4000  }
0x27: {  	[sflag:s18] =	ssyncset.done $0x0  }
0x28: {  	s25 =	simm.s32 $0x0;
	[sflag:s18] =	ssyncadd.s32 $0xFFFFC000  }
.LBB2_3:
0x29: {  	s26 =	sshll.u32 s25, $0xA  }
0x2a: {  	s28 =	sor.u32 $0x200, s26  }
0x2b: {  	s29 =	sadd.s32 s5, s28  }
0x2c: {  	[tilespmem:s19], [sflag:$0x3] =	stream.linear.gather [hbm4b:s29+s3], $0x1000, $0x38;
	[tilespmem:$0x14000] =	vst v63  }
0x2d: {  	s28 =	sadd.s32 s4, s28  }
0x2e: {  	[tilespmem:s20], [sflag:$0x3] =	stream.linear.gather [hbm4b:s28+s3], $0x1000, $0x38;
	[tilespmem:$0x14000] =	vst v63  }
0x2f: {  	_ =	swait.ge [sflag:s21], $0x1000  }
0x30: {  	[sflag:s21] =	ssyncset.done $0x0  }
0x31: {  	[sflag:s21] =	ssyncadd.s32 $0xFFFFF000  }
0x32: {  	_ =	swait.ge [sflag:s21], $0x1000  }
0x33: {  	[sflag:s21] =	ssyncset.done $0x0  }
0x34: {  	s28 =	simm.s32 $0x10040;
	[sflag:s21] =	ssyncadd.s32 $0xFFFFF000  }
0x35: {  	v0 =	vld [tilespmem:s28+$0x20]  }
0x36: {  	v2 =	vld [tilespmem:s28+$0xFFFFFFC0];
	_ =	sdelay $0x3  }
0x37: {  	v3 =	vand.u32 $0xFFFF, v0  }
0x38: {  	v1 =	vld [tilespmem:s28+$0xFFFFFFE0];
	v6 =	vand.u32 $0xFFFF, v2  }
0x39: {  	s30 =	simm.s32 $0x11040  }
0x3a: {  	v8 =	vld [tilespmem:s30+$0x20]  }
0x3b: {  	v12 =	vld [tilespmem:s30+$0xFFFFFFC0]  }
0x3c: {  	v7 =	vld.idx.msk [tilespmem:v3+s3+$0x0], $0xffff  }
0x3d: {  	v5 =	vand.u32 $0xFFFF, v1;
	v10 =	vld.idx.msk [tilespmem:v6+s3+$0x0], $0xffff  }
0x3e: {  	v4 =	vld [tilespmem:s28+$0x0];
	v0 =	vshrl.u32 v0, $0x10  }
0x3f: {  	v2 =	vshrl.u32 v2, $0x10  }
0x40: {  	v13 =	vld [tilespmem:s30+$0xFFFFFFE0]  }
0x41: {  	v14 =	vld [tilespmem:s30+$0x0];
	v7 =	vmul.f32 v7, v8  }
0x42: {  	v9 =	vld.idx.msk [tilespmem:v5+s3+$0x0], $0xffff;
	v10 =	vmul.f32 v10, v12  }
0x43: {  	v11 =	vand.u32 $0xFFFF, v4;
	[tilespmem:v0+s15+$0x0] =	vst.idx.add.f32.msk $0xffff, v7  }
0x44: {  	v1 =	vshrl.u32 v1, $0x10;
	[tilespmem:v2+s15+$0x0] =	vst.idx.add.f32.msk $0xffff, v10  }
0x45: {  	s29 =	simm.s32 $0x100C0;
	v3 =	vld.idx.msk [tilespmem:v3+s16+$0x0], $0xffff  }
0x46: {  	v10 =	vld [tilespmem:s29+$0x20]  }
0x47: {  	v15 =	vld [tilespmem:s29+$0x0];
	v9 =	vmul.f32 v9, v13  }
0x48: {  	v7 =	vld.idx.msk [tilespmem:v11+s3+$0x0], $0xffff  }
0x49: {  	[tilespmem:v1+s15+$0x0] =	vst.idx.add.f32.msk $0xffff, v9  }
0x4a: {  	v4 =	vshrl.u32 v4, $0x10;
	v6 =	vld.idx.msk [tilespmem:v6+s16+$0x0], $0xffff;
	v3 =	vmul.f32 v3, v8  }
0x4b: {  	v5 =	vld.idx.msk [tilespmem:v5+s16+$0x0], $0xffff;
	v16 =	vand.u32 $0xFFFF, v10  }
0x4c: {  	[tilespmem:v0+s17+$0x0] =	vst.idx.add.f32.msk $0xffff, v3  }
0x4d: {  	v3 =	vmul.f32 v7, v14;
	v0 =	vld [tilespmem:s28+$0x30]  }
0x4e: {  	v7 =	vld [tilespmem:s30+$0x30]  }
0x4f: {  	[tilespmem:v4+s15+$0x0] =	vst.idx.add.f32.msk $0xffff, v3  }
0x50: {  	v3 =	vmul.f32 v6, v12;
	v21 =	vld.idx.msk [tilespmem:v16+s3+$0x0], $0xffff  }
0x51: {  	v6 =	vld.idx.msk [tilespmem:v11+s16+$0x0], $0xffff  }
0x52: {  	[tilespmem:v2+s17+$0x0] =	vst.idx.add.f32.msk $0xffff, v3  }
0x53: {  	v3 =	vmul.f32 v5, v13;
	v13 =	vld [tilespmem:s29+$0xFFFFFFE0]  }
0x54: {  	v5 =	vld [tilespmem:s28+$0xFFFFFFD0]  }
0x55: {  	[tilespmem:v1+s17+$0x0] =	vst.idx.add.f32.msk $0xffff, v3  }
0x56: {  	v2 =	vand.u32 $0xFFFF, v0;
	v1 =	vld [tilespmem:s28+$0xFFFFFFF0]  }
0x57: {  	v12 =	vld [tilespmem:s30+$0xFFFFFFF0];
	v3 =	vmul.f32 v6, v14  }
0x58: {  	v14 =	vld [tilespmem:s29+$0xFFFFFFC0]  }
0x59: {  	[tilespmem:v4+s17+$0x0] =	vst.idx.add.f32.msk $0xffff, v3  }
0x5a: {  	v4 =	vld [tilespmem:s30+$0xFFFFFFD0]  }
0x5b: {  	v8 =	vand.u32 $0xFFFF, v5;
	v6 =	vld.idx.msk [tilespmem:v2+s3+$0x0], $0xffff  }
0x5c: {  	v3 =	vld [tilespmem:s28+$0x10];
	s28 =	simm.s32 $0x110C0  }
0x5d: {  	v0 =	vshrl.u32 v0, $0x10;
	v22 =	vld [tilespmem:s28+$0x20]  }
0x5e: {  	v17 =	vld [tilespmem:s30+$0x10]  }
0x5f: {  	v10 =	vshrl.u32 v10, $0x10;
	v25 =	vld [tilespmem:s28+$0xFFFFFFC0]  }
0x60: {  	v9 =	vld.idx.msk [tilespmem:v8+s3+$0x0], $0xffff;
	v6 =	vmul.f32 v6, v7  }
0x61: {  	v26 =	vld [tilespmem:s28+$0xFFFFFFE0];
	v11 =	vand.u32 $0xFFFF, v3  }
0x62: {  	v5 =	vshrl.u32 v5, $0x10;
	v21 =	vmul.f32 v21, v22;
	[tilespmem:v0+s15+$0x0] =	vst.idx.add.f32.msk $0xffff, v6  }
0x63: {  	v6 =	vand.u32 $0xFFFF, v1;
	v2 =	vld.idx.msk [tilespmem:v2+s16+$0x0], $0xffff  }
0x64: {  	[tilespmem:v10+s15+$0x0] =	vst.idx.add.f32.msk $0xffff, v21  }
0x65: {  	v9 =	vmul.f32 v9, v4;
	v16 =	vld.idx.msk [tilespmem:v16+s16+$0x0], $0xffff  }
0x66: {  	v20 =	vand.u32 $0xFFFF, v13;
	v19 =	vld.idx.msk [tilespmem:v11+s3+$0x0], $0xffff  }
0x67: {  	[tilespmem:v5+s15+$0x0] =	vst.idx.add.f32.msk $0xffff, v9  }
0x68: {  	v9 =	vand.u32 $0xFFFF, v14;
	v18 =	vld.idx.msk [tilespmem:v6+s3+$0x0], $0xffff;
	v2 =	vmul.f32 v2, v7  }
0x69: {  	v8 =	vld.idx.msk [tilespmem:v8+s16+$0x0], $0xffff;
	v7 =	vand.u32 $0xFFFF, v15  }
0x6a: {  	v1 =	vshrl.u32 v1, $0x10;
	[tilespmem:v0+s17+$0x0] =	vst.idx.add.f32.msk $0xffff, v2  }
0x6b: {  	v2 =	vld.idx.msk [tilespmem:v20+s3+$0x0], $0xffff  }
0x6c: {  	v0 =	vshrl.u32 v3, $0x10;
	v3 =	vshrl.u32 v14, $0x10;
	v14 =	vld [tilespmem:s28+$0x0]  }
0x6d: {  	v23 =	vld.idx.msk [tilespmem:v9+s3+$0x0], $0xffff;
	v18 =	vmul.f32 v18, v12  }
0x6e: {  	v13 =	vshrl.u32 v13, $0x10;
	v4 =	vmul.f32 v8, v4;
	v24 =	vld.idx.msk [tilespmem:v7+s3+$0x0], $0xffff  }
0x6f: {  	v19 =	vmul.f32 v19, v17;
	[tilespmem:v1+s15+$0x0] =	vst.idx.add.f32.msk $0xffff, v18  }
0x70: {  	[tilespmem:v5+s17+$0x0] =	vst.idx.add.f32.msk $0xffff, v4  }
0x71: {  	v2 =	vmul.f32 v2, v26;
	[tilespmem:v0+s15+$0x0] =	vst.idx.add.f32.msk $0xffff, v19  }
0x72: {  	v6 =	vld.idx.msk [tilespmem:v6+s16+$0x0], $0xffff;
	v59 =	vmul.f32 v23, v25  }
0x73: {  	[tilespmem:v13+s15+$0x0] =	vst.idx.add.f32.msk $0xffff, v2  }
0x74: {  	[tilespmem:v3+s15+$0x0] =	vst.idx.add.f32.msk $0xffff, v59  }
0x75: {  	v15 =	vshrl.u32 v15, $0x10;
	v2 =	vld.idx.msk [tilespmem:v9+s16+$0x0], $0xffff;
	v9 =	vmul.f32 v16, v22  }
0x76: {  	v8 =	vld.idx.msk [tilespmem:v11+s16+$0x0], $0xffff  }
0x77: {  	[tilespmem:v10+s17+$0x0] =	vst.idx.add.f32.msk $0xffff, v9  }
0x78: {  	v60 =	vmul.f32 v24, v14;
	v62 =	vld [tilespmem:s29+$0x30]  }
0x79: {  	v61 =	vld.idx.msk [tilespmem:v20+s16+$0x0], $0xffff  }
0x7a: {  	[tilespmem:v15+s15+$0x0] =	vst.idx.add.f32.msk $0xffff, v60  }
0x7b: {  	v7 =	vld.idx.msk [tilespmem:v7+s16+$0x0], $0xffff;
	v2 =	vmul.f32 v2, v25  }
0x7c: {  	v10 =	vld [tilespmem:s28+$0x30]  }
0x7d: {  	v6 =	vmul.f32 v6, v12;
	[tilespmem:v3+s17+$0x0] =	vst.idx.add.f32.msk $0xffff, v2;
	v63 =	vand.u32 $0xFFFF, v62  }
0x7e: {  	v9 =	vmul.f32 v61, v26;
	v4 =	vld [tilespmem:s29+$0xFFFFFFD0]  }
0x7f: {  	[tilespmem:v1+s17+$0x0] =	vst.idx.add.f32.msk $0xffff, v6  }
0x80: {  	[tilespmem:v13+s17+$0x0] =	vst.idx.add.f32.msk $0xffff, v9  }
0x81: {  	v5 =	vld [tilespmem:s29+$0xFFFFFFF0]  }
0x82: {  	v2 =	vmul.f32 v7, v14;
	v13 =	vld.idx.msk [tilespmem:v63+s3+$0x0], $0xffff  }
0x83: {  	v3 =	vld [tilespmem:s28+$0xFFFFFFF0];
	v9 =	vand.u32 $0xFFFF, v4  }
0x84: {  	v11 =	vshrl.u32 v62, $0x10;
	[tilespmem:v15+s17+$0x0] =	vst.idx.add.f32.msk $0xffff, v2  }
0x85: {  	v14 =	vld [tilespmem:s29+$0x10]  }
0x86: {  	v7 =	vld [tilespmem:s28+$0xFFFFFFD0]  }
0x87: {  	v2 =	vld [tilespmem:s28+$0x10];
	v12 =	vmul.f32 v13, v10  }
0x88: {  	v13 =	vld.idx.msk [tilespmem:v9+s3+$0x0], $0xffff  }
0x89: {  	v8 =	vmul.f32 v8, v17;
	v1 =	vshrl.u32 v5, $0x10;
	v5 =	vand.u32 $0xFFFF, v5;
	[tilespmem:v11+s15+$0x0] =	vst.idx.add.f32.msk $0xffff, v12  }
0x8a: {  	s30 =	simm.s32 $0x10140;
	s29 =	simm.s32 $0x4;
	v4 =	vshrl.u32 v4, $0x10;
	v6 =	vand.u32 $0xFFFF, v14;
	v12 =	vshrl.u32 v14, $0x10;
	v14 =	vld.idx.msk [tilespmem:v63+s16+$0x0], $0xffff  }
.LBB2_4:
0x8b: {  	v15 =	vld [tilespmem:s30+$0x20];
	s29 =	sadd.s32 $0x4, s29  }
0x8c: {  	v16 =	vld [tilespmem:s30+$0xFFFFFFE0];
	p0 =	slt.u32 s29, $0x7C  }
0x8d: {  	v17 =	vld [tilespmem:s30+$0x0]  }
0x8e: {  	v13 =	vmul.f32 v13, v7;
	v18 =	vld [tilespmem:s30+$0xFFFFFFC0]  }
0x8f: {  	v19 =	vld.idx.msk [tilespmem:v5+s3+$0x0], $0xffff  }
0x90: {  	v10 =	vmul.f32 v14, v10;
	v20 =	vand.u32 $0xFFFF, v15;
	v21 =	vld.idx.msk [tilespmem:v6+s3+$0x0], $0xffff  }
0x91: {  	v14 =	vshrl.u32 v16, $0x10;
	v16 =	vand.u32 $0xFFFF, v16;
	[tilespmem:v4+s15+$0x0] =	vst.idx.add.f32.msk $0xffff, v13  }
0x92: {  	v13 =	vshrl.u32 v17, $0x10;
	v17 =	vand.u32 $0xFFFF, v17;
	[tilespmem:v11+s17+$0x0] =	vst.idx.add.f32.msk $0xffff, v10  }
0x93: {  	v10 =	vshrl.u32 v18, $0x10;
	v11 =	vand.u32 $0xFFFF, v18;
	v9 =	vld.idx.msk [tilespmem:v9+s16+$0x0], $0xffff  }
0x94: {  	[tilespmem:v0+s17+$0x0] =	vst.idx.add.f32.msk $0xffff, v8;
	v0 =	vmov v12  }
0x95: {  	s28 =	sadd.s32 $0x80, s28;
	v12 =	vmul.f32 v19, v3;
	v8 =	vld.idx.msk [tilespmem:v20+s3+$0x0], $0xffff  }
0x96: {  	v19 =	vmul.f32 v21, v2;
	v18 =	vld [tilespmem:s28+$0x20]  }
0x97: {  	v21 =	vld.idx.msk [tilespmem:v16+s3+$0x0], $0xffff  }
0x98: {  	v15 =	vshrl.u32 v15, $0x10;
	v22 =	vld.idx.msk [tilespmem:v11+s3+$0x0], $0xffff  }
0x99: {  	v7 =	vmul.f32 v9, v7;
	v23 =	vld.idx.msk [tilespmem:v17+s3+$0x0], $0xffff  }
0x9a: {  	v9 =	vld [tilespmem:s28+$0xFFFFFFC0]  }
0x9b: {  	v24 =	vld [tilespmem:s28+$0xFFFFFFE0];
	v8 =	vmul.f32 v8, v18  }
0x9c: {  	v25 =	vld [tilespmem:s28+$0x0]  }
0x9d: {  	[tilespmem:v15+s15+$0x0] =	vst.idx.add.f32.msk $0xffff, v8  }
0x9e: {  	v8 =	vld.idx.msk [tilespmem:v20+s16+$0x0], $0xffff  }
0x9f: {  	v20 =	vmul.f32 v22, v9;
	[tilespmem:v1+s15+$0x0] =	vst.idx.add.f32.msk $0xffff, v12  }
0xa0: {  	v12 =	vmul.f32 v21, v24;
	[tilespmem:v0+s15+$0x0] =	vst.idx.add.f32.msk $0xffff, v19  }
0xa1: {  	[tilespmem:v10+s15+$0x0] =	vst.idx.add.f32.msk $0xffff, v20;
	v19 =	vmul.f32 v23, v25  }
0xa2: {  	[tilespmem:v14+s15+$0x0] =	vst.idx.add.f32.msk $0xffff, v12  }
0xa3: {  	[tilespmem:v13+s15+$0x0] =	vst.idx.add.f32.msk $0xffff, v19  }
0xa4: {  	v8 =	vmul.f32 v8, v18;
	v11 =	vld.idx.msk [tilespmem:v11+s16+$0x0], $0xffff  }
0xa5: {  	v12 =	vld.idx.msk [tilespmem:v16+s16+$0x0], $0xffff  }
0xa6: {  	[tilespmem:v15+s17+$0x0] =	vst.idx.add.f32.msk $0xffff, v8  }
0xa7: {  	v15 =	vld [tilespmem:s30+$0x30]  }
0xa8: {  	v8 =	vld.idx.msk [tilespmem:v17+s16+$0x0], $0xffff  }
0xa9: {  	v5 =	vld.idx.msk [tilespmem:v5+s16+$0x0], $0xffff  }
0xaa: {  	v9 =	vmul.f32 v11, v9;
	v6 =	vld.idx.msk [tilespmem:v6+s16+$0x0], $0xffff  }
0xab: {  	v11 =	vmul.f32 v12, v24;
	[tilespmem:v4+s17+$0x0] =	vst.idx.add.f32.msk $0xffff, v7  }
0xac: {  	[tilespmem:v10+s17+$0x0] =	vst.idx.add.f32.msk $0xffff, v9;
	v16 =	vand.u32 $0xFFFF, v15  }
0xad: {  	[tilespmem:v14+s17+$0x0] =	vst.idx.add.f32.msk $0xffff, v11  }
0xae: {  	v4 =	vmul.f32 v8, v25;
	v7 =	vld [tilespmem:s30+$0xFFFFFFD0]  }
0xaf: {  	v12 =	vmul.f32 v5, v3;
	v11 =	vld [tilespmem:s30+$0xFFFFFFF0]  }
0xb0: {  	v8 =	vmul.f32 v6, v2;
	[tilespmem:v13+s17+$0x0] =	vst.idx.add.f32.msk $0xffff, v4  }
0xb1: {  	v6 =	vld.idx.msk [tilespmem:v16+s3+$0x0], $0xffff  }
0xb2: {  	v10 =	vld [tilespmem:s28+$0x30]  }
0xb3: {  	v4 =	vshrl.u32 v7, $0x10;
	v9 =	vand.u32 $0xFFFF, v7;
	v14 =	vld [tilespmem:s30+$0x10]  }
0xb4: {  	v7 =	vld [tilespmem:s28+$0xFFFFFFD0];
	v13 =	vshrl.u32 v11, $0x10;
	v5 =	vand.u32 $0xFFFF, v11;
	v11 =	vshrl.u32 v15, $0x10  }
0xb5: {  	v3 =	vld [tilespmem:s28+$0xFFFFFFF0]  }
.Ltmp0:
0xb6: {  	v2 =	vld [tilespmem:s28+$0x10];
	(pc) =	sbr.rel @p0 .LBB2_4-.Ltmp0, $4  }
0xb7: {  	v15 =	vmul.f32 v6, v10;
	[tilespmem:v1+s17+$0x0] =	vst.idx.add.f32.msk $0xffff, v12;
	v1 =	vmov v13  }
0xb8: {  	v13 =	vld.idx.msk [tilespmem:v9+s3+$0x0], $0xffff;
	v12 =	vshrl.u32 v14, $0x10;
	v6 =	vand.u32 $0xFFFF, v14  }
0xb9: {  	[tilespmem:v11+s15+$0x0] =	vst.idx.add.f32.msk $0xffff, v15  }
0xba: {  	s30 =	sadd.s32 $0x80, s30;
	v14 =	vld.idx.msk [tilespmem:v16+s16+$0x0], $0xffff  }
0xbb: {  	_ =	sdelay $0x3  }
0xbc: {  	v15 =	vld.idx.msk [tilespmem:v5+s3+$0x0], $0xffff  }
0xbd: {  	v16 =	vld.idx.msk [tilespmem:v6+s3+$0x0], $0xffff;
	_ =	sdelay $0x1  }
0xbe: {  	v13 =	vmul.f32 v13, v7;
	_ =	sdelay $0x1  }
0xbf: {  	[tilespmem:v4+s15+$0x0] =	vst.idx.add.f32.msk $0xffff, v13;
	v13 =	vmul.f32 v15, v3  }
0xc0: {  	v9 =	vld.idx.msk [tilespmem:v9+s16+$0x0], $0xffff;
	v15 =	vmul.f32 v16, v2  }
0xc1: {  	[tilespmem:v1+s15+$0x0] =	vst.idx.add.f32.msk $0xffff, v13  }
0xc2: {  	[tilespmem:v12+s15+$0x0] =	vst.idx.add.f32.msk $0xffff, v15  }
0xc3: {  	v5 =	vld.idx.msk [tilespmem:v5+s16+$0x0], $0xffff  }
0xc4: {  	v6 =	vld.idx.msk [tilespmem:v6+s16+$0x0], $0xffff;
	_ =	sdelay $0x1  }
0xc5: {  	v10 =	vmul.f32 v14, v10  }
0xc6: {  	[tilespmem:v0+s17+$0x0] =	vst.idx.add.f32.msk $0xffff, v8;
	v7 =	vmul.f32 v9, v7  }
0xc7: {  	[tilespmem:v11+s17+$0x0] =	vst.idx.add.f32.msk $0xffff, v10;
	v0 =	vmul.f32 v5, v3  }
0xc8: {  	p0 =	seq.s32 s25, $0x20;
	[tilespmem:v4+s17+$0x0] =	vst.idx.add.f32.msk $0xffff, v7;
	v2 =	vmul.f32 v6, v2  }
0xc9: {  	s26 =	sadd.s32 @!p0 $0x400, s26;
	[tilespmem:v1+s17+$0x0] =	vst.idx.add.f32.msk $0xffff, v0  }
0xca: {  	s29 =	simm.s32 @!p0 $0x0;
	s30 =	simm.s32 @!p0 $0x10000;
	s28 =	sadd.s32 @!p0 s5, s26;
	[tilespmem:v12+s17+$0x0] =	vst.idx.add.f32.msk $0xffff, v2  }
0xcb: {  	[tilespmem:s30], [sflag:$0x2] =	stream.linear.gather @!p0 [hbm4b:s28+s29], $0x1000, $0x38;
	[tilespmem:$0x14000] =	vst v63  }
0xcc: {  	s26 =	sadd.s32 @!p0 s4, s26;
	s28 =	simm.s32 @!p0 $0x11000  }
0xcd: {  	[tilespmem:s28], [sflag:$0x2] =	stream.linear.gather @!p0 [hbm4b:s26+s29], $0x1000, $0x38;
	[tilespmem:$0x14000] =	vst v63  }
0xce: {  	_ =	swait.ge [sflag:s22], $0x1000  }
0xcf: {  	[sflag:s22] =	ssyncset.done $0x0  }
0xd0: {  	[sflag:s22] =	ssyncadd.s32 $0xFFFFF000  }
0xd1: {  	_ =	swait.ge [sflag:s22], $0x1000  }
0xd2: {  	[sflag:s22] =	ssyncset.done $0x0  }
0xd3: {  	s31 =	simm.s32 $0x12040;
	[sflag:s22] =	ssyncadd.s32 $0xFFFFF000  }
0xd4: {  	v0 =	vld [tilespmem:s31+$0x20];
	_ =	sdelay $0x1  }
0xd5: {  	v2 =	vld [tilespmem:s31+$0xFFFFFFC0];
	_ =	sdelay $0x1  }
0xd6: {  	v1 =	vld [tilespmem:s31+$0xFFFFFFE0]  }
0xd7: {  	s29 =	simm.s32 $0x13040;
	v4 =	vld [tilespmem:s31+$0x0];
	v3 =	vand.u32 $0xFFFF, v0  }
0xd8: {  	v8 =	vld [tilespmem:s29+$0x20]  }
0xd9: {  	v12 =	vld [tilespmem:s29+$0xFFFFFFC0];
	v6 =	vand.u32 $0xFFFF, v2  }
0xda: {  	v13 =	vld [tilespmem:s29+$0xFFFFFFE0]  }
0xdb: {  	v14 =	vld [tilespmem:s29+$0x0]  }
0xdc: {  	s28 =	simm.s32 $0x120C0;
	v5 =	vand.u32 $0xFFFF, v1;
	v7 =	vld.idx.msk [tilespmem:v3+s3+$0x0], $0xffff  }
0xdd: {  	v15 =	vld [tilespmem:s28+$0x0]  }
0xde: {  	s26 =	simm.s32 $0x130C0;
	v0 =	vshrl.u32 v0, $0x10;
	v10 =	vld.idx.msk [tilespmem:v6+s3+$0x0], $0xffff  }
0xdf: {  	v22 =	vld [tilespmem:s26+$0x20]  }
0xe0: {  	v25 =	vld [tilespmem:s26+$0xFFFFFFC0];
	v2 =	vshrl.u32 v2, $0x10  }
0xe1: {  	v9 =	vld.idx.msk [tilespmem:v5+s3+$0x0], $0xffff;
	v7 =	vmul.f32 v7, v8  }
0xe2: {  	v26 =	vld [tilespmem:s26+$0xFFFFFFE0];
	v11 =	vand.u32 $0xFFFF, v4  }
0xe3: {  	v1 =	vshrl.u32 v1, $0x10;
	v10 =	vmul.f32 v10, v12;
	[tilespmem:v0+s15+$0x0] =	vst.idx.add.f32.msk $0xffff, v7  }
0xe4: {  	v3 =	vld.idx.msk [tilespmem:v3+s16+$0x0], $0xffff  }
0xe5: {  	[tilespmem:v2+s15+$0x0] =	vst.idx.add.f32.msk $0xffff, v10  }
0xe6: {  	v9 =	vmul.f32 v9, v13;
	v10 =	vld [tilespmem:s28+$0x20]  }
0xe7: {  	v7 =	vld.idx.msk [tilespmem:v11+s3+$0x0], $0xffff  }
0xe8: {  	[tilespmem:v1+s15+$0x0] =	vst.idx.add.f32.msk $0xffff, v9  }
0xe9: {  	v4 =	vshrl.u32 v4, $0x10;
	v6 =	vld.idx.msk [tilespmem:v6+s16+$0x0], $0xffff;
	v3 =	vmul.f32 v3, v8  }
0xea: {  	v5 =	vld.idx.msk [tilespmem:v5+s16+$0x0], $0xffff  }
0xeb: {  	v58 =	vand.u32 $0xFFFF, v10;
	[tilespmem:v0+s17+$0x0] =	vst.idx.add.f32.msk $0xffff, v3  }
0xec: {  	v3 =	vmul.f32 v7, v14;
	v0 =	vld [tilespmem:s31+$0x30]  }
0xed: {  	v7 =	vld [tilespmem:s29+$0x30]  }
0xee: {  	[tilespmem:v4+s15+$0x0] =	vst.idx.add.f32.msk $0xffff, v3  }
0xef: {  	v3 =	vmul.f32 v6, v12;
	v6 =	vld.idx.msk [tilespmem:v11+s16+$0x0], $0xffff  }
0xf0: {  	v21 =	vld.idx.msk [tilespmem:v58+s3+$0x0], $0xffff  }
0xf1: {  	[tilespmem:v2+s17+$0x0] =	vst.idx.add.f32.msk $0xffff, v3  }
0xf2: {  	v3 =	vmul.f32 v5, v13;
	v5 =	vld [tilespmem:s31+$0xFFFFFFD0];
	v2 =	vand.u32 $0xFFFF, v0  }
0xf3: {  	v13 =	vld [tilespmem:s28+$0xFFFFFFE0]  }
0xf4: {  	[tilespmem:v1+s17+$0x0] =	vst.idx.add.f32.msk $0xffff, v3;
	v3 =	vmul.f32 v6, v14  }
0xf5: {  	v1 =	vld [tilespmem:s31+$0xFFFFFFF0]  }
0xf6: {  	[tilespmem:v4+s17+$0x0] =	vst.idx.add.f32.msk $0xffff, v3  }
0xf7: {  	v8 =	vand.u32 $0xFFFF, v5;
	v6 =	vld.idx.msk [tilespmem:v2+s3+$0x0], $0xffff  }
0xf8: {  	v10 =	vshrl.u32 v10, $0x10;
	v3 =	vld [tilespmem:s31+$0x10]  }
0xf9: {  	v0 =	vshrl.u32 v0, $0x10;
	v12 =	vld [tilespmem:s29+$0xFFFFFFF0]  }
0xfa: {  	v14 =	vld [tilespmem:s28+$0xFFFFFFC0]  }
0xfb: {  	v21 =	vmul.f32 v21, v22;
	v4 =	vld [tilespmem:s29+$0xFFFFFFD0]  }
0xfc: {  	v9 =	vld.idx.msk [tilespmem:v8+s3+$0x0], $0xffff;
	v6 =	vmul.f32 v6, v7  }
0xfd: {  	[tilespmem:v10+s15+$0x0] =	vst.idx.add.f32.msk $0xffff, v21;
	v11 =	vand.u32 $0xFFFF, v3  }
0xfe: {  	v5 =	vshrl.u32 v5, $0x10;
	[tilespmem:v0+s15+$0x0] =	vst.idx.add.f32.msk $0xffff, v6  }
0xff: {  	v6 =	vand.u32 $0xFFFF, v1;
	v2 =	vld.idx.msk [tilespmem:v2+s16+$0x0], $0xffff  }
0x100: {  	v16 =	vld.idx.msk [tilespmem:v58+s16+$0x0], $0xffff  }
0x101: {  	v17 =	vld [tilespmem:s29+$0x10];
	v9 =	vmul.f32 v9, v4  }
0x102: {  	v20 =	vand.u32 $0xFFFF, v13;
	v19 =	vld.idx.msk [tilespmem:v11+s3+$0x0], $0xffff  }
0x103: {  	[tilespmem:v5+s15+$0x0] =	vst.idx.add.f32.msk $0xffff, v9  }
0x104: {  	v9 =	vand.u32 $0xFFFF, v14;
	v18 =	vld.idx.msk [tilespmem:v6+s3+$0x0], $0xffff;
	v2 =	vmul.f32 v2, v7  }
0x105: {  	v8 =	vld.idx.msk [tilespmem:v8+s16+$0x0], $0xffff;
	v7 =	vand.u32 $0xFFFF, v15  }
0x106: {  	v1 =	vshrl.u32 v1, $0x10;
	[tilespmem:v0+s17+$0x0] =	vst.idx.add.f32.msk $0xffff, v2  }
0x107: {  	v2 =	vld.idx.msk [tilespmem:v20+s3+$0x0], $0xffff  }
0x108: {  	v0 =	vshrl.u32 v3, $0x10;
	v3 =	vshrl.u32 v14, $0x10;
	v14 =	vld [tilespmem:s26+$0x0]  }
0x109: {  	v23 =	vld.idx.msk [tilespmem:v9+s3+$0x0], $0xffff;
	v18 =	vmul.f32 v18, v12  }
0x10a: {  	v13 =	vshrl.u32 v13, $0x10;
	v4 =	vmul.f32 v8, v4;
	v24 =	vld.idx.msk [tilespmem:v7+s3+$0x0], $0xffff  }
0x10b: {  	v19 =	vmul.f32 v19, v17;
	[tilespmem:v1+s15+$0x0] =	vst.idx.add.f32.msk $0xffff, v18  }
0x10c: {  	[tilespmem:v5+s17+$0x0] =	vst.idx.add.f32.msk $0xffff, v4  }
0x10d: {  	v2 =	vmul.f32 v2, v26;
	[tilespmem:v0+s15+$0x0] =	vst.idx.add.f32.msk $0xffff, v19  }
0x10e: {  	v6 =	vld.idx.msk [tilespmem:v6+s16+$0x0], $0xffff;
	v59 =	vmul.f32 v23, v25  }
0x10f: {  	[tilespmem:v13+s15+$0x0] =	vst.idx.add.f32.msk $0xffff, v2  }
0x110: {  	[tilespmem:v3+s15+$0x0] =	vst.idx.add.f32.msk $0xffff, v59  }
0x111: {  	v15 =	vshrl.u32 v15, $0x10;
	v2 =	vld.idx.msk [tilespmem:v9+s16+$0x0], $0xffff;
	v9 =	vmul.f32 v16, v22  }
0x112: {  	v8 =	vld.idx.msk [tilespmem:v11+s16+$0x0], $0xffff  }
0x113: {  	[tilespmem:v10+s17+$0x0] =	vst.idx.add.f32.msk $0xffff, v9  }
0x114: {  	v60 =	vmul.f32 v24, v14;
	v62 =	vld [tilespmem:s28+$0x30]  }
0x115: {  	v61 =	vld.idx.msk [tilespmem:v20+s16+$0x0], $0xffff  }
0x116: {  	[tilespmem:v15+s15+$0x0] =	vst.idx.add.f32.msk $0xffff, v60  }
0x117: {  	v7 =	vld.idx.msk [tilespmem:v7+s16+$0x0], $0xffff;
	v2 =	vmul.f32 v2, v25  }
0x118: {  	v10 =	vld [tilespmem:s26+$0x30]  }
0x119: {  	v6 =	vmul.f32 v6, v12;
	[tilespmem:v3+s17+$0x0] =	vst.idx.add.f32.msk $0xffff, v2;
	v63 =	vand.u32 $0xFFFF, v62  }
0x11a: {  	v9 =	vmul.f32 v61, v26;
	v4 =	vld [tilespmem:s28+$0xFFFFFFD0]  }
0x11b: {  	[tilespmem:v1+s17+$0x0] =	vst.idx.add.f32.msk $0xffff, v6  }
0x11c: {  	[tilespmem:v13+s17+$0x0] =	vst.idx.add.f32.msk $0xffff, v9  }
0x11d: {  	v5 =	vld [tilespmem:s28+$0xFFFFFFF0]  }
0x11e: {  	v2 =	vmul.f32 v7, v14;
	v13 =	vld.idx.msk [tilespmem:v63+s3+$0x0], $0xffff  }
0x11f: {  	v3 =	vld [tilespmem:s26+$0xFFFFFFF0];
	v9 =	vand.u32 $0xFFFF, v4  }
0x120: {  	v11 =	vshrl.u32 v62, $0x10;
	[tilespmem:v15+s17+$0x0] =	vst.idx.add.f32.msk $0xffff, v2  }
0x121: {  	v14 =	vld [tilespmem:s28+$0x10]  }
0x122: {  	v7 =	vld [tilespmem:s26+$0xFFFFFFD0]  }
0x123: {  	v2 =	vld [tilespmem:s26+$0x10];
	v12 =	vmul.f32 v13, v10  }
0x124: {  	v13 =	vld.idx.msk [tilespmem:v9+s3+$0x0], $0xffff  }
0x125: {  	v8 =	vmul.f32 v8, v17;
	v1 =	vshrl.u32 v5, $0x10;
	v5 =	vand.u32 $0xFFFF, v5;
	[tilespmem:v11+s15+$0x0] =	vst.idx.add.f32.msk $0xffff, v12  }
0x126: {  	s25 =	sadd.s32 $0x1, s25;
	s29 =	simm.s32 $0x12140;
	s28 =	simm.s32 $0x4;
	v4 =	vshrl.u32 v4, $0x10;
	v6 =	vand.u32 $0xFFFF, v14;
	v12 =	vshrl.u32 v14, $0x10;
	v14 =	vld.idx.msk [tilespmem:v63+s16+$0x0], $0xffff  }
.LBB2_6:
0x127: {  	v15 =	vld [tilespmem:s29+$0x20];
	s28 =	sadd.s32 $0x4, s28  }
0x128: {  	v16 =	vld [tilespmem:s29+$0xFFFFFFE0];
	p0 =	slt.u32 s28, $0x7C  }
0x129: {  	v17 =	vld [tilespmem:s29+$0x0]  }
0x12a: {  	v13 =	vmul.f32 v13, v7;
	v18 =	vld [tilespmem:s29+$0xFFFFFFC0]  }
0x12b: {  	v19 =	vld.idx.msk [tilespmem:v5+s3+$0x0], $0xffff  }
0x12c: {  	v10 =	vmul.f32 v14, v10;
	v20 =	vand.u32 $0xFFFF, v15;
	v21 =	vld.idx.msk [tilespmem:v6+s3+$0x0], $0xffff  }
0x12d: {  	v14 =	vshrl.u32 v16, $0x10;
	v16 =	vand.u32 $0xFFFF, v16;
	[tilespmem:v4+s15+$0x0] =	vst.idx.add.f32.msk $0xffff, v13  }
0x12e: {  	v13 =	vshrl.u32 v17, $0x10;
	v17 =	vand.u32 $0xFFFF, v17;
	[tilespmem:v11+s17+$0x0] =	vst.idx.add.f32.msk $0xffff, v10  }
0x12f: {  	v10 =	vshrl.u32 v18, $0x10;
	v11 =	vand.u32 $0xFFFF, v18;
	v9 =	vld.idx.msk [tilespmem:v9+s16+$0x0], $0xffff  }
0x130: {  	[tilespmem:v0+s17+$0x0] =	vst.idx.add.f32.msk $0xffff, v8;
	v0 =	vmov v12  }
0x131: {  	s26 =	sadd.s32 $0x80, s26;
	v12 =	vmul.f32 v19, v3;
	v8 =	vld.idx.msk [tilespmem:v20+s3+$0x0], $0xffff  }
0x132: {  	v19 =	vmul.f32 v21, v2;
	v18 =	vld [tilespmem:s26+$0x20]  }
0x133: {  	v21 =	vld.idx.msk [tilespmem:v16+s3+$0x0], $0xffff  }
0x134: {  	v15 =	vshrl.u32 v15, $0x10;
	v22 =	vld.idx.msk [tilespmem:v11+s3+$0x0], $0xffff  }
0x135: {  	v7 =	vmul.f32 v9, v7;
	v23 =	vld.idx.msk [tilespmem:v17+s3+$0x0], $0xffff  }
0x136: {  	v9 =	vld [tilespmem:s26+$0xFFFFFFC0]  }
0x137: {  	v24 =	vld [tilespmem:s26+$0xFFFFFFE0];
	v8 =	vmul.f32 v8, v18  }
0x138: {  	v25 =	vld [tilespmem:s26+$0x0]  }
0x139: {  	[tilespmem:v15+s15+$0x0] =	vst.idx.add.f32.msk $0xffff, v8  }
0x13a: {  	v8 =	vld.idx.msk [tilespmem:v20+s16+$0x0], $0xffff  }
0x13b: {  	v20 =	vmul.f32 v22, v9;
	[tilespmem:v1+s15+$0x0] =	vst.idx.add.f32.msk $0xffff, v12  }
0x13c: {  	v12 =	vmul.f32 v21, v24;
	[tilespmem:v0+s15+$0x0] =	vst.idx.add.f32.msk $0xffff, v19  }
0x13d: {  	[tilespmem:v10+s15+$0x0] =	vst.idx.add.f32.msk $0xffff, v20;
	v19 =	vmul.f32 v23, v25  }
0x13e: {  	[tilespmem:v14+s15+$0x0] =	vst.idx.add.f32.msk $0xffff, v12  }
0x13f: {  	[tilespmem:v13+s15+$0x0] =	vst.idx.add.f32.msk $0xffff, v19  }
0x140: {  	v8 =	vmul.f32 v8, v18;
	v11 =	vld.idx.msk [tilespmem:v11+s16+$0x0], $0xffff  }
0x141: {  	v12 =	vld.idx.msk [tilespmem:v16+s16+$0x0], $0xffff  }
0x142: {  	[tilespmem:v15+s17+$0x0] =	vst.idx.add.f32.msk $0xffff, v8  }
0x143: {  	v15 =	vld [tilespmem:s29+$0x30]  }
0x144: {  	v8 =	vld.idx.msk [tilespmem:v17+s16+$0x0], $0xffff  }
0x145: {  	v5 =	vld.idx.msk [tilespmem:v5+s16+$0x0], $0xffff  }
0x146: {  	v9 =	vmul.f32 v11, v9;
	v6 =	vld.idx.msk [tilespmem:v6+s16+$0x0], $0xffff  }
0x147: {  	v11 =	vmul.f32 v12, v24;
	[tilespmem:v4+s17+$0x0] =	vst.idx.add.f32.msk $0xffff, v7  }
0x148: {  	[tilespmem:v10+s17+$0x0] =	vst.idx.add.f32.msk $0xffff, v9;
	v16 =	vand.u32 $0xFFFF, v15  }
0x149: {  	[tilespmem:v14+s17+$0x0] =	vst.idx.add.f32.msk $0xffff, v11  }
0x14a: {  	v4 =	vmul.f32 v8, v25;
	v7 =	vld [tilespmem:s29+$0xFFFFFFD0]  }
0x14b: {  	v12 =	vmul.f32 v5, v3;
	v11 =	vld [tilespmem:s29+$0xFFFFFFF0]  }
0x14c: {  	v8 =	vmul.f32 v6, v2;
	[tilespmem:v13+s17+$0x0] =	vst.idx.add.f32.msk $0xffff, v4  }
0x14d: {  	v6 =	vld.idx.msk [tilespmem:v16+s3+$0x0], $0xffff  }
0x14e: {  	v10 =	vld [tilespmem:s26+$0x30]  }
0x14f: {  	v4 =	vshrl.u32 v7, $0x10;
	v9 =	vand.u32 $0xFFFF, v7;
	v14 =	vld [tilespmem:s29+$0x10]  }
0x150: {  	v7 =	vld [tilespmem:s26+$0xFFFFFFD0];
	v13 =	vshrl.u32 v11, $0x10;
	v5 =	vand.u32 $0xFFFF, v11;
	v11 =	vshrl.u32 v15, $0x10  }
0x151: {  	v3 =	vld [tilespmem:s26+$0xFFFFFFF0]  }
.Ltmp1:
0x152: {  	v2 =	vld [tilespmem:s26+$0x10];
	(pc) =	sbr.rel @p0 .LBB2_6-.Ltmp1, $4  }
0x153: {  	v15 =	vmul.f32 v6, v10;
	[tilespmem:v1+s17+$0x0] =	vst.idx.add.f32.msk $0xffff, v12;
	v1 =	vmov v13  }
0x154: {  	v13 =	vld.idx.msk [tilespmem:v9+s3+$0x0], $0xffff;
	v12 =	vshrl.u32 v14, $0x10;
	v6 =	vand.u32 $0xFFFF, v14  }
0x155: {  	[tilespmem:v11+s15+$0x0] =	vst.idx.add.f32.msk $0xffff, v15  }
0x156: {  	s29 =	sadd.s32 $0x80, s29;
	v14 =	vld.idx.msk [tilespmem:v16+s16+$0x0], $0xffff  }
0x157: {  	_ =	sdelay $0x3  }
0x158: {  	v15 =	vld.idx.msk [tilespmem:v5+s3+$0x0], $0xffff  }
0x159: {  	v16 =	vld.idx.msk [tilespmem:v6+s3+$0x0], $0xffff;
	_ =	sdelay $0x1  }
0x15a: {  	v13 =	vmul.f32 v13, v7;
	_ =	sdelay $0x1  }
0x15b: {  	[tilespmem:v4+s15+$0x0] =	vst.idx.add.f32.msk $0xffff, v13;
	v57 =	vmul.f32 v15, v3  }
0x15c: {  	v9 =	vld.idx.msk [tilespmem:v9+s16+$0x0], $0xffff;
	v58 =	vmul.f32 v16, v2  }
0x15d: {  	[tilespmem:v1+s15+$0x0] =	vst.idx.add.f32.msk $0xffff, v57  }
0x15e: {  	[tilespmem:v12+s15+$0x0] =	vst.idx.add.f32.msk $0xffff, v58  }
0x15f: {  	v59 =	vld.idx.msk [tilespmem:v5+s16+$0x0], $0xffff  }
0x160: {  	v60 =	vld.idx.msk [tilespmem:v6+s16+$0x0], $0xffff;
	_ =	sdelay $0x1  }
0x161: {  	v10 =	vmul.f32 v14, v10  }
0x162: {  	[tilespmem:v0+s17+$0x0] =	vst.idx.add.f32.msk $0xffff, v8;
	v61 =	vmul.f32 v9, v7  }
0x163: {  	[tilespmem:v11+s17+$0x0] =	vst.idx.add.f32.msk $0xffff, v10;
	v62 =	vmul.f32 v59, v3  }
0x164: {  	[tilespmem:v4+s17+$0x0] =	vst.idx.add.f32.msk $0xffff, v61;
	v63 =	vmul.f32 v60, v2  }
0x165: {  	[tilespmem:v1+s17+$0x0] =	vst.idx.add.f32.msk $0xffff, v62  }
0x166: {  	[tilespmem:v12+s17+$0x0] =	vst.idx.add.f32.msk $0xffff, v63  }
0x167: {  	p0 =	seq.s32 s25, $0x21  }
.Ltmp2:
0x168: {  	_ = 	snop;
	(pc) =	sbr.rel @!p0 .LBB2_3-.Ltmp2, $1  }
0x169: {  	_ =	sdelay $0x3  }
0x16a: {  	[hbm4b:s8+s13] =	stream.strided.scatter [tilespmem:s15], [sflag:$0x4], $0x4000, s14, s13, $0x38;
	[tilespmem:$0x14000] =	vst v63  }
0x16b: {  	s24 =	sadd.s32 $0x1, s24;
	_ =	swait.ge [sflag:s23], $0x4000  }
0x16c: {  	p0 =	sne.s32 s24, s10;
	[sflag:s23] =	ssyncset.done $0x0  }
.Ltmp3:
0x16d: {  	[sflag:s23] =	ssyncadd.s32 $0xFFFFC000;
	(pc) =	sbr.rel @p0 .LBB2_1-.Ltmp3, $4  }
0x16e: {  	[hbm4b:s9+s13] =	stream.strided.scatter [tilespmem:s17], [sflag:$0x4], $0x4000, s14, s13, $0x38;
	[tilespmem:$0x14000] =	vst v63  }
0x16f: {  	_ =	swait.ge [sflag:s23], $0x4000  }
0x170: {  	[sflag:s23] =	ssyncset.done $0x0  }
0x171: {  	[sflag:s23] =	ssyncadd.s32 $0xFFFFC000  }
0x172: {  	_ =	sfence.sel $0x180000  }
0x173: {  	[bflag:$0x0] =	sbarrier.arrive $0xFFFF  }
0x174: {  	p0 =	sne.s32 s2, $0x0;
	_ =	strace $0x90000047  }
0x175: {  	s0 =	sadd.s32 @!p0 $0x100000, s0;
	[bflag:$0x2] =	sbarrier.arrive $0xFFFF  }
0x176: {  	[sflag:s0] =	ssyncadd.tile.s32 @!p0 $0x1;
	_ =	shalt  }
.Lfunc_end2:
_tile_overlayer_lowered:
.L_overlay_start_2:
0x177: {  	(tag) =	ssettag $0x2  }
0x178: {  	s0 =	rddreg [dreg:$0x0];
	s2 =	stileid.u32  }
0x179: {  	s1 =	rddreg [dreg:$0x1];
	p0 =	sne.s32 s2, $0x0  }
0x17a: {  	s3 =	rddreg [dreg:$0x2];
	[bflag:$0x3] =	sbarrier.arrive $0xFFFF;
	s2 =	simm.s32 @!p0 $0x1C04  }
0x17b: {  	[timem:s3], [sflag:s2] =	dma.local @!p0 [hbm:s0], s1  }
0x17c: {  	s0 =	simm.s32 @!p0 $0x4  }
0x17d: {  	_ =	swait.ge @!p0 [sflag:s0], s1  }
0x17e: {  	s1 =	ssub.s32 @!p0 $0x0, s1;
	[sflag:s0] =	ssyncset.done @!p0 $0x0  }
0x17f: {  	[sflag:s0] =	ssyncadd.s32 @!p0 s1  }
0x180: {  	[bflag:$0x3] =	sbarrier.arrive $0xFFFF  }
0x181: {  	_ =	shalt  }

</sc_bundles>
